<compile_context>
chip_gen: v7x
topology: tpu7x:2x2x1
jax: 0.10.2.dev20260603
libtpu: 0.0.44.dev20260713+nightly
codegen_flags: <defaults>
</compile_context>

<pallas_src>
import functools

import jax
import jax.numpy as jnp
from jax import lax
from jax.experimental import pallas as pl
from jax.experimental.pallas import tpu as pltpu
from jax.experimental.pallas import tpu_sc as plsc

_B = 16
_T = 576
_BT = _B * _T
_D = 256
_S = 4
_K = 1024
_SUB = _D // _S

_NC, _NS = 2, 16
_NW = _NC * _NS
_UPW = (_B * _S) // _NW
_IDXC = 128


_RPB = 1


def _dist_body(x_ref, w_ref, idx_ref, err_ref, wt_scr):
    i = pl.program_id(0)

    @pl.when(i == 0)
    def _init():
        err_ref[0, 0] = 0.0
        for s in range(_S):
            wt_scr[s] = jnp.transpose(w_ref[s]) * jnp.float32(-2.0)

    wt_ref = wt_scr

    acc = jnp.float32(0.0)
    iota1 = lax.broadcasted_iota(jnp.int32, (1, _K), 1).astype(jnp.float32)
    cols = []
    for r in range(_RPB):
        xb = x_ref[r]
        for s in range(_S):
            xi = xb[:, s * _SUB:(s + 1) * _SUB]
            wt2 = wt_ref[s]
            xnorm = jnp.sum(xi * xi, axis=1, keepdims=True)
            cbnorm = jnp.sum(wt2 * wt2, axis=0, keepdims=True) * 0.25
            scores2 = jnp.dot(xi, wt2, preferred_element_type=jnp.float32)
            d = (xnorm + cbnorm) + scores2
            m = jnp.min(d, axis=1, keepdims=True)
            sel = jnp.where(d == m, iota1, jnp.float32(2.0 * _K))
            cols.append(jnp.min(sel, axis=1, keepdims=True))
            acc = acc + jnp.sum(m)
    mat = jnp.concatenate(cols, axis=1)
    idxr = jnp.transpose(mat)
    offs = (lax.broadcasted_iota(jnp.int32, (_RPB * _S, 1), 0) % _S) * _K
    idxi = idxr.astype(jnp.int32) + offs
    idx_ref[...] = idxi.reshape(_RPB, _S, _T)
    err_ref[0, 0] += acc * (1.25 / (_BT * _SUB))


def _distances(x, wt):
    return pl.pallas_call(
        _dist_body,
        grid=(_B // _RPB,),
        in_specs=[
            pl.BlockSpec((_RPB, _T, _D), lambda i: (i, 0, 0)),
            pl.BlockSpec((_S, _K, _SUB), lambda i: (0, 0, 0)),
        ],
        scratch_shapes=[pltpu.VMEM((_S, _SUB, _K), jnp.float32)],
        out_specs=[
            pl.BlockSpec((_RPB, _S, _T), lambda i: (i, 0, 0)),
            pl.BlockSpec(memory_space=pltpu.SMEM),
        ],
        out_shape=[
            jax.ShapeDtypeStruct((_B, _S, _T), jnp.int32),
            jax.ShapeDtypeStruct((1, 1), jnp.float32),
        ],
    )(x, wt)


def _gather_body(table_ref, idx_ref, out_ref, idx_v, rows_v, sem):
    wid = lax.axis_index("s") * _NC + lax.axis_index("c")
    nw = _UPW * _T
    base = pl.multiple_of(wid * nw, 8)
    pltpu.sync_copy(idx_ref.at[pl.ds(base, nw)], idx_v)
    copies = []
    for off in range(0, nw, _IDXC):
        copies.append(pltpu.async_copy(
            table_ref.at[idx_v.at[pl.ds(off, _IDXC)]],
            rows_v.at[pl.ds(off, _IDXC)],
            sem,
        ))
    for cp in copies:
        cp.wait()
    for u in range(_UPW):
        unit = wid * _UPW + u
        b = unit // _S
        s = lax.rem(unit, _S)
        tbase = pl.multiple_of(b * _T, 8)
        sbase = pl.multiple_of(s * _SUB, 8)
        pltpu.sync_copy(
            rows_v.at[pl.ds(u * _T, _T)],
            out_ref.at[pl.ds(tbase, _T), pl.ds(sbase, _SUB)])


@functools.lru_cache(maxsize=1)
def _gather_kernel():
    return pl.kernel(
        _gather_body,
        out_type=jax.ShapeDtypeStruct((_BT, _D), jnp.float32),
        mesh=plsc.VectorSubcoreMesh(
            core_axis_name="c", subcore_axis_name="s",
            num_cores=_NC, num_subcores=_NS),
        scratch_types=[
            pltpu.VMEM((_UPW * _T,), jnp.int32),
            pltpu.VMEM((_UPW * _T, _SUB), jnp.float32),
            pltpu.SemaphoreType.DMA,
        ],
        compiler_params=pltpu.CompilerParams(use_tc_tiling_on_sc=False),
    )


def kernel(x, W):
    B, T, D = x.shape
    idxg, err = _distances(x, W)
    table = W.reshape(_S * _K, _SUB)
    idx_flat = idxg.reshape(_B * _S * _T)
    quant = _gather_kernel()(table, idx_flat)
    return quant.reshape(B, T, D), err[0, 0]

# --- scband reference (transcript-rebuilt; emitter-appended) ---
"""Pipeline reference for scband-product-quantizer-26087631356135 (READ-ONLY COPY).

The authoritative reference and input builder live on the scoring server;
editing this copy changes nothing except your own understanding.
"""

import jax, jax.numpy as jnp
import numpy as np


def setup_inputs(seed: int = 0) -> dict:
    key = jax.random.key(seed)
    k1, k2 = jax.random.split(key)
    x = jax.random.normal(k1, (16, 576, 256), dtype=jnp.float32)
    # ProductQuantizer: splits=4 codebooks, each Embedding(symbols=1024, features//splits=64)
    # initialized uniform_(-1/symbols, 1/symbols)
    W = jax.random.uniform(k2, (4, 1024, 64), dtype=jnp.float32, minval=-1.0 / 1024.0, maxval=1.0 / 1024.0)
    return {"x": x, "W": W}


def reference(x, W):
    splits = W.shape[0]
    xs = jnp.split(x, splits, axis=-1)
    outs = []
    errs = []
    for i in range(splits):
        cb = W[i]  # [symbols, sub_dim]
        xi = xs[i]  # [B, T, sub_dim]
        # squared distances: ||x||^2 + ||y||^2 - 2 x @ y  (y = cb.T)
        d = (jnp.sum(xi ** 2, axis=-1, keepdims=True)
             + jnp.sum(cb ** 2, axis=-1)[None, None, :]
             - 2.0 * jnp.matmul(xi, cb.T))
        idx = jnp.argmin(d, axis=-1)  # [B, T]
        sym = jnp.take(cb, idx, axis=0)  # [B, T, sub_dim] (embedding lookup)
        dev = (jnp.mean((sym - jax.lax.stop_gradient(xi)) ** 2)
               + 0.25 * jnp.mean((xi - jax.lax.stop_gradient(sym)) ** 2))
        outs.append(xi + jax.lax.stop_gradient(sym - xi))
        errs.append(dev)
    quantized = jnp.concatenate(outs, axis=-1)
    total_err = errs[0]
    for e in errs[1:]:
        total_err = total_err + e
    return (quantized, total_err)

if __name__ == "__main__":
    import jax
    _d = setup_inputs()
    print(jax.jit(kernel)(*tuple(_d.values())))

</pallas_src>

<mosaic_0001>
#map = affine_map<(d0, d1) -> (0, 0)>
#map1 = affine_map<(d0, d1) -> (0)>
module attributes {stable_mosaic.version = 14 : i64} {
  func.func @_gather_body(%arg0: i32, %arg1: i32, %arg2: memref<4096x64xf32, #tpu.memory_space<hbm>>, %arg3: memref<36864xi32, #tpu.memory_space<hbm>>, %arg4: memref<9216x256xf32, #tpu.memory_space<hbm>>, %arg5: memref<1152xi32, #tpu.memory_space<vmem>>, %arg6: memref<1152x64xf32, #tpu.memory_space<vmem>>, %arg7: memref<!tpu.dma_semaphore, #tpu.memory_space<semaphore_mem>>) attributes {dimension_semantics = [#tpu.dimension_semantics<core_parallel>, #tpu.dimension_semantics<subcore_parallel>], iteration_bounds = array<i64: 2, 16>, scalar_prefetch = 0 : i64, scratch_operands = 3 : i64, tpu.core_type = #tpu.core_type<sc_vector_subcore>, window_params = [{transform_indices = #map}, {transform_indices = #map1}, {transform_indices = #map}]} {
    %mul3A = arith.constant 2 : i32
    %mul3A_0 = arith.muli %arg1, %mul3A : i32
    %add3A = arith.addi %mul3A_0, %arg0 : i32
    %mul3A_1 = arith.constant 1152 : i32
    %mul3A_2 = arith.muli %add3A, %mul3A_1 : i32
    %multiple_of3A = tpu.assume_multiple %mul3A_2, 8 : i32
    "tpu.region"() ({
      %run_scoped3A = tpu.sem_alloc : memref<!tpu.dma_semaphore, #tpu.memory_space<semaphore_mem>>
      %dma_start3A_209 = tpu.memref_slice %arg3[%multiple_of3A] : memref<36864xi32, #tpu.memory_space<hbm>> -> memref<1152xi32, #tpu.memory_space<hbm>>
      %dma_start3A_210 = tpu.memref_slice %arg3[%multiple_of3A] : memref<36864xi32, #tpu.memory_space<hbm>> -> memref<1152xi32, #tpu.memory_space<hbm>>
      tpu.enqueue_dma source(%dma_start3A_210 : memref<1152xi32, #tpu.memory_space<hbm>>) target(%arg5 : memref<1152xi32, #tpu.memory_space<vmem>>) target_semaphore(%run_scoped3A : memref<!tpu.dma_semaphore, #tpu.memory_space<semaphore_mem>>)
      %dma_wait3A_211 = tpu.memref_slice %arg3[%multiple_of3A] : memref<36864xi32, #tpu.memory_space<hbm>> -> memref<1152xi32, #tpu.memory_space<hbm>>
      %dma_wait3A_212 = tpu.memref_slice %arg3[%multiple_of3A] : memref<36864xi32, #tpu.memory_space<hbm>> -> memref<1152xi32, #tpu.memory_space<hbm>>
      tpu.wait_dma2 semaphore(%run_scoped3A : memref<!tpu.dma_semaphore, #tpu.memory_space<semaphore_mem>>) src(%dma_wait3A_212 : memref<1152xi32, #tpu.memory_space<hbm>>) dst(%arg5 : memref<1152xi32, #tpu.memory_space<vmem>>)
      tpu.yield
    }) : () -> ()
    %dma_start3A = arith.constant 0 : i32
    %dma_start3A_3 = arith.constant 0 : i32
    %dma_start3A_4 = tpu.memref_slice %arg6[%dma_start3A, %dma_start3A_3] : memref<1152x64xf32, #tpu.memory_space<vmem>> -> memref<128x64xf32, #tpu.memory_space<vmem>>
    %dma_start3A_5 = arith.constant 0 : i32
    %dma_start3A_6 = tpu.memref_slice %arg5[%dma_start3A_5] : memref<1152xi32, #tpu.memory_space<vmem>> -> memref<128xi32, #tpu.memory_space<vmem>>
    %dma_start3A_7 = arith.constant 0 : i32
    %dma_start3A_8 = arith.constant 0 : i32
    %dma_start3A_9 = tpu.memref_slice %arg2[%dma_start3A_7, %dma_start3A_8] : memref<4096x64xf32, #tpu.memory_space<hbm>> -> memref<4096x64xf32, #tpu.memory_space<hbm>>
    tpu.enqueue_indirect_dma source(%dma_start3A_9 : memref<4096x64xf32, #tpu.memory_space<hbm>>) target(%dma_start3A_4 : memref<128x64xf32, #tpu.memory_space<vmem>>) offsets(%dma_start3A_6 : memref<128xi32, #tpu.memory_space<vmem>>) semaphore(%arg7 : memref<!tpu.dma_semaphore, #tpu.memory_space<semaphore_mem>>)
    %dma_start3A_10 = arith.constant 128 : i32
    %dma_start3A_11 = arith.constant 0 : i32
    %dma_start3A_12 = tpu.memref_slice %arg6[%dma_start3A_10, %dma_start3A_11] : memref<1152x64xf32, #tpu.memory_space<vmem>> -> memref<128x64xf32, #tpu.memory_space<vmem>>
    %dma_start3A_13 = arith.constant 128 : i32
    %dma_start3A_14 = tpu.memref_slice %arg5[%dma_start3A_13] : memref<1152xi32, #tpu.memory_space<vmem>> -> memref<128xi32, #tpu.memory_space<vmem>>
    %dma_start3A_15 = arith.constant 0 : i32
    %dma_start3A_16 = arith.constant 0 : i32
    %dma_start3A_17 = tpu.memref_slice %arg2[%dma_start3A_15, %dma_start3A_16] : memref<4096x64xf32, #tpu.memory_space<hbm>> -> memref<4096x64xf32, #tpu.memory_space<hbm>>
    tpu.enqueue_indirect_dma source(%dma_start3A_17 : memref<4096x64xf32, #tpu.memory_space<hbm>>) target(%dma_start3A_12 : memref<128x64xf32, #tpu.memory_space<vmem>>) offsets(%dma_start3A_14 : memref<128xi32, #tpu.memory_space<vmem>>) semaphore(%arg7 : memref<!tpu.dma_semaphore, #tpu.memory_space<semaphore_mem>>)
    %dma_start3A_18 = arith.constant 256 : i32
    %dma_start3A_19 = arith.constant 0 : i32
    %dma_start3A_20 = tpu.memref_slice %arg6[%dma_start3A_18, %dma_start3A_19] : memref<1152x64xf32, #tpu.memory_space<vmem>> -> memref<128x64xf32, #tpu.memory_space<vmem>>
    %dma_start3A_21 = arith.constant 256 : i32
    %dma_start3A_22 = tpu.memref_slice %arg5[%dma_start3A_21] : memref<1152xi32, #tpu.memory_space<vmem>> -> memref<128xi32, #tpu.memory_space<vmem>>
    %dma_start3A_23 = arith.constant 0 : i32
    %dma_start3A_24 = arith.constant 0 : i32
    %dma_start3A_25 = tpu.memref_slice %arg2[%dma_start3A_23, %dma_start3A_24] : memref<4096x64xf32, #tpu.memory_space<hbm>> -> memref<4096x64xf32, #tpu.memory_space<hbm>>
    tpu.enqueue_indirect_dma source(%dma_start3A_25 : memref<4096x64xf32, #tpu.memory_space<hbm>>) target(%dma_start3A_20 : memref<128x64xf32, #tpu.memory_space<vmem>>) offsets(%dma_start3A_22 : memref<128xi32, #tpu.memory_space<vmem>>) semaphore(%arg7 : memref<!tpu.dma_semaphore, #tpu.memory_space<semaphore_mem>>)
    %dma_start3A_26 = arith.constant 384 : i32
    %dma_start3A_27 = arith.constant 0 : i32
    %dma_start3A_28 = tpu.memref_slice %arg6[%dma_start3A_26, %dma_start3A_27] : memref<1152x64xf32, #tpu.memory_space<vmem>> -> memref<128x64xf32, #tpu.memory_space<vmem>>
    %dma_start3A_29 = arith.constant 384 : i32
    %dma_start3A_30 = tpu.memref_slice %arg5[%dma_start3A_29] : memref<1152xi32, #tpu.memory_space<vmem>> -> memref<128xi32, #tpu.memory_space<vmem>>
    %dma_start3A_31 = arith.constant 0 : i32
    %dma_start3A_32 = arith.constant 0 : i32
    %dma_start3A_33 = tpu.memref_slice %arg2[%dma_start3A_31, %dma_start3A_32] : memref<4096x64xf32, #tpu.memory_space<hbm>> -> memref<4096x64xf32, #tpu.memory_space<hbm>>
    tpu.enqueue_indirect_dma source(%dma_start3A_33 : memref<4096x64xf32, #tpu.memory_space<hbm>>) target(%dma_start3A_28 : memref<128x64xf32, #tpu.memory_space<vmem>>) offsets(%dma_start3A_30 : memref<128xi32, #tpu.memory_space<vmem>>) semaphore(%arg7 : memref<!tpu.dma_semaphore, #tpu.memory_space<semaphore_mem>>)
    %dma_start3A_34 = arith.constant 512 : i32
    %dma_start3A_35 = arith.constant 0 : i32
    %dma_start3A_36 = tpu.memref_slice %arg6[%dma_start3A_34, %dma_start3A_35] : memref<1152x64xf32, #tpu.memory_space<vmem>> -> memref<128x64xf32, #tpu.memory_space<vmem>>
    %dma_start3A_37 = arith.constant 512 : i32
    %dma_start3A_38 = tpu.memref_slice %arg5[%dma_start3A_37] : memref<1152xi32, #tpu.memory_space<vmem>> -> memref<128xi32, #tpu.memory_space<vmem>>
    %dma_start3A_39 = arith.constant 0 : i32
    %dma_start3A_40 = arith.constant 0 : i32
    %dma_start3A_41 = tpu.memref_slice %arg2[%dma_start3A_39, %dma_start3A_40] : memref<4096x64xf32, #tpu.memory_space<hbm>> -> memref<4096x64xf32, #tpu.memory_space<hbm>>
    tpu.enqueue_indirect_dma source(%dma_start3A_41 : memref<4096x64xf32, #tpu.memory_space<hbm>>) target(%dma_start3A_36 : memref<128x64xf32, #tpu.memory_space<vmem>>) offsets(%dma_start3A_38 : memref<128xi32, #tpu.memory_space<vmem>>) semaphore(%arg7 : memref<!tpu.dma_semaphore, #tpu.memory_space<semaphore_mem>>)
    %dma_start3A_42 = arith.constant 640 : i32
    %dma_start3A_43 = arith.constant 0 : i32
    %dma_start3A_44 = tpu.memref_slice %arg6[%dma_start3A_42, %dma_start3A_43] : memref<1152x64xf32, #tpu.memory_space<vmem>> -> memref<128x64xf32, #tpu.memory_space<vmem>>
    %dma_start3A_45 = arith.constant 640 : i32
    %dma_start3A_46 = tpu.memref_slice %arg5[%dma_start3A_45] : memref<1152xi32, #tpu.memory_space<vmem>> -> memref<128xi32, #tpu.memory_space<vmem>>
    %dma_start3A_47 = arith.constant 0 : i32
    %dma_start3A_48 = arith.constant 0 : i32
    %dma_start3A_49 = tpu.memref_slice %arg2[%dma_start3A_47, %dma_start3A_48] : memref<4096x64xf32, #tpu.memory_space<hbm>> -> memref<4096x64xf32, #tpu.memory_space<hbm>>
    tpu.enqueue_indirect_dma source(%dma_start3A_49 : memref<4096x64xf32, #tpu.memory_space<hbm>>) target(%dma_start3A_44 : memref<128x64xf32, #tpu.memory_space<vmem>>) offsets(%dma_start3A_46 : memref<128xi32, #tpu.memory_space<vmem>>) semaphore(%arg7 : memref<!tpu.dma_semaphore, #tpu.memory_space<semaphore_mem>>)
    %dma_start3A_50 = arith.constant 768 : i32
    %dma_start3A_51 = arith.constant 0 : i32
    %dma_start3A_52 = tpu.memref_slice %arg6[%dma_start3A_50, %dma_start3A_51] : memref<1152x64xf32, #tpu.memory_space<vmem>> -> memref<128x64xf32, #tpu.memory_space<vmem>>
    %dma_start3A_53 = arith.constant 768 : i32
    %dma_start3A_54 = tpu.memref_slice %arg5[%dma_start3A_53] : memref<1152xi32, #tpu.memory_space<vmem>> -> memref<128xi32, #tpu.memory_space<vmem>>
    %dma_start3A_55 = arith.constant 0 : i32
    %dma_start3A_56 = arith.constant 0 : i32
    %dma_start3A_57 = tpu.memref_slice %arg2[%dma_start3A_55, %dma_start3A_56] : memref<4096x64xf32, #tpu.memory_space<hbm>> -> memref<4096x64xf32, #tpu.memory_space<hbm>>
    tpu.enqueue_indirect_dma source(%dma_start3A_57 : memref<4096x64xf32, #tpu.memory_space<hbm>>) target(%dma_start3A_52 : memref<128x64xf32, #tpu.memory_space<vmem>>) offsets(%dma_start3A_54 : memref<128xi32, #tpu.memory_space<vmem>>) semaphore(%arg7 : memref<!tpu.dma_semaphore, #tpu.memory_space<semaphore_mem>>)
    %dma_start3A_58 = arith.constant 896 : i32
    %dma_start3A_59 = arith.constant 0 : i32
    %dma_start3A_60 = tpu.memref_slice %arg6[%dma_start3A_58, %dma_start3A_59] : memref<1152x64xf32, #tpu.memory_space<vmem>> -> memref<128x64xf32, #tpu.memory_space<vmem>>
    %dma_start3A_61 = arith.constant 896 : i32
    %dma_start3A_62 = tpu.memref_slice %arg5[%dma_start3A_61] : memref<1152xi32, #tpu.memory_space<vmem>> -> memref<128xi32, #tpu.memory_space<vmem>>
    %dma_start3A_63 = arith.constant 0 : i32
    %dma_start3A_64 = arith.constant 0 : i32
    %dma_start3A_65 = tpu.memref_slice %arg2[%dma_start3A_63, %dma_start3A_64] : memref<4096x64xf32, #tpu.memory_space<hbm>> -> memref<4096x64xf32, #tpu.memory_space<hbm>>
    tpu.enqueue_indirect_dma source(%dma_start3A_65 : memref<4096x64xf32, #tpu.memory_space<hbm>>) target(%dma_start3A_60 : memref<128x64xf32, #tpu.memory_space<vmem>>) offsets(%dma_start3A_62 : memref<128xi32, #tpu.memory_space<vmem>>) semaphore(%arg7 : memref<!tpu.dma_semaphore, #tpu.memory_space<semaphore_mem>>)
    %dma_start3A_66 = arith.constant 1024 : i32
    %dma_start3A_67 = arith.constant 0 : i32
    %dma_start3A_68 = tpu.memref_slice %arg6[%dma_start3A_66, %dma_start3A_67] : memref<1152x64xf32, #tpu.memory_space<vmem>> -> memref<128x64xf32, #tpu.memory_space<vmem>>
    %dma_start3A_69 = arith.constant 1024 : i32
    %dma_start3A_70 = tpu.memref_slice %arg5[%dma_start3A_69] : memref<1152xi32, #tpu.memory_space<vmem>> -> memref<128xi32, #tpu.memory_space<vmem>>
    %dma_start3A_71 = arith.constant 0 : i32
    %dma_start3A_72 = arith.constant 0 : i32
    %dma_start3A_73 = tpu.memref_slice %arg2[%dma_start3A_71, %dma_start3A_72] : memref<4096x64xf32, #tpu.memory_space<hbm>> -> memref<4096x64xf32, #tpu.memory_space<hbm>>
    tpu.enqueue_indirect_dma source(%dma_start3A_73 : memref<4096x64xf32, #tpu.memory_space<hbm>>) target(%dma_start3A_68 : memref<128x64xf32, #tpu.memory_space<vmem>>) offsets(%dma_start3A_70 : memref<128xi32, #tpu.memory_space<vmem>>) semaphore(%arg7 : memref<!tpu.dma_semaphore, #tpu.memory_space<semaphore_mem>>)
    %dma_wait3A = arith.constant 0 : i32
    %dma_wait3A_74 = arith.constant 0 : i32
    %dma_wait3A_75 = tpu.memref_slice %arg6[%dma_wait3A, %dma_wait3A_74] : memref<1152x64xf32, #tpu.memory_space<vmem>> -> memref<128x64xf32, #tpu.memory_space<vmem>>
    %dma_wait3A_76 = arith.constant 0 : i32
    %dma_wait3A_77 = tpu.memref_slice %arg5[%dma_wait3A_76] : memref<1152xi32, #tpu.memory_space<vmem>> -> memref<128xi32, #tpu.memory_space<vmem>>
    %dma_wait3A_78 = arith.constant 0 : i32
    %dma_wait3A_79 = arith.constant 0 : i32
    %dma_wait3A_80 = tpu.memref_slice %arg2[%dma_wait3A_78, %dma_wait3A_79] : memref<4096x64xf32, #tpu.memory_space<hbm>> -> memref<4096x64xf32, #tpu.memory_space<hbm>>
    tpu.wait_indirect_dma semaphore(%arg7 : memref<!tpu.dma_semaphore, #tpu.memory_space<semaphore_mem>>) src(%dma_wait3A_80 : memref<4096x64xf32, #tpu.memory_space<hbm>>) dst(%dma_wait3A_75 : memref<128x64xf32, #tpu.memory_space<vmem>>)
    %dma_wait3A_81 = arith.constant 128 : i32
    %dma_wait3A_82 = arith.constant 0 : i32
    %dma_wait3A_83 = tpu.memref_slice %arg6[%dma_wait3A_81, %dma_wait3A_82] : memref<1152x64xf32, #tpu.memory_space<vmem>> -> memref<128x64xf32, #tpu.memory_space<vmem>>
    %dma_wait3A_84 = arith.constant 128 : i32
    %dma_wait3A_85 = tpu.memref_slice %arg5[%dma_wait3A_84] : memref<1152xi32, #tpu.memory_space<vmem>> -> memref<128xi32, #tpu.memory_space<vmem>>
    %dma_wait3A_86 = arith.constant 0 : i32
    %dma_wait3A_87 = arith.constant 0 : i32
    %dma_wait3A_88 = tpu.memref_slice %arg2[%dma_wait3A_86, %dma_wait3A_87] : memref<4096x64xf32, #tpu.memory_space<hbm>> -> memref<4096x64xf32, #tpu.memory_space<hbm>>
    tpu.wait_indirect_dma semaphore(%arg7 : memref<!tpu.dma_semaphore, #tpu.memory_space<semaphore_mem>>) src(%dma_wait3A_88 : memref<4096x64xf32, #tpu.memory_space<hbm>>) dst(%dma_wait3A_83 : memref<128x64xf32, #tpu.memory_space<vmem>>)
    %dma_wait3A_89 = arith.constant 256 : i32
    %dma_wait3A_90 = arith.constant 0 : i32
    %dma_wait3A_91 = tpu.memref_slice %arg6[%dma_wait3A_89, %dma_wait3A_90] : memref<1152x64xf32, #tpu.memory_space<vmem>> -> memref<128x64xf32, #tpu.memory_space<vmem>>
    %dma_wait3A_92 = arith.constant 256 : i32
    %dma_wait3A_93 = tpu.memref_slice %arg5[%dma_wait3A_92] : memref<1152xi32, #tpu.memory_space<vmem>> -> memref<128xi32, #tpu.memory_space<vmem>>
    %dma_wait3A_94 = arith.constant 0 : i32
    %dma_wait3A_95 = arith.constant 0 : i32
    %dma_wait3A_96 = tpu.memref_slice %arg2[%dma_wait3A_94, %dma_wait3A_95] : memref<4096x64xf32, #tpu.memory_space<hbm>> -> memref<4096x64xf32, #tpu.memory_space<hbm>>
    tpu.wait_indirect_dma semaphore(%arg7 : memref<!tpu.dma_semaphore, #tpu.memory_space<semaphore_mem>>) src(%dma_wait3A_96 : memref<4096x64xf32, #tpu.memory_space<hbm>>) dst(%dma_wait3A_91 : memref<128x64xf32, #tpu.memory_space<vmem>>)
    %dma_wait3A_97 = arith.constant 384 : i32
    %dma_wait3A_98 = arith.constant 0 : i32
    %dma_wait3A_99 = tpu.memref_slice %arg6[%dma_wait3A_97, %dma_wait3A_98] : memref<1152x64xf32, #tpu.memory_space<vmem>> -> memref<128x64xf32, #tpu.memory_space<vmem>>
    %dma_wait3A_100 = arith.constant 384 : i32
    %dma_wait3A_101 = tpu.memref_slice %arg5[%dma_wait3A_100] : memref<1152xi32, #tpu.memory_space<vmem>> -> memref<128xi32, #tpu.memory_space<vmem>>
    %dma_wait3A_102 = arith.constant 0 : i32
    %dma_wait3A_103 = arith.constant 0 : i32
    %dma_wait3A_104 = tpu.memref_slice %arg2[%dma_wait3A_102, %dma_wait3A_103] : memref<4096x64xf32, #tpu.memory_space<hbm>> -> memref<4096x64xf32, #tpu.memory_space<hbm>>
    tpu.wait_indirect_dma semaphore(%arg7 : memref<!tpu.dma_semaphore, #tpu.memory_space<semaphore_mem>>) src(%dma_wait3A_104 : memref<4096x64xf32, #tpu.memory_space<hbm>>) dst(%dma_wait3A_99 : memref<128x64xf32, #tpu.memory_space<vmem>>)
    %dma_wait3A_105 = arith.constant 512 : i32
    %dma_wait3A_106 = arith.constant 0 : i32
    %dma_wait3A_107 = tpu.memref_slice %arg6[%dma_wait3A_105, %dma_wait3A_106] : memref<1152x64xf32, #tpu.memory_space<vmem>> -> memref<128x64xf32, #tpu.memory_space<vmem>>
    %dma_wait3A_108 = arith.constant 512 : i32
    %dma_wait3A_109 = tpu.memref_slice %arg5[%dma_wait3A_108] : memref<1152xi32, #tpu.memory_space<vmem>> -> memref<128xi32, #tpu.memory_space<vmem>>
    %dma_wait3A_110 = arith.constant 0 : i32
    %dma_wait3A_111 = arith.constant 0 : i32
    %dma_wait3A_112 = tpu.memref_slice %arg2[%dma_wait3A_110, %dma_wait3A_111] : memref<4096x64xf32, #tpu.memory_space<hbm>> -> memref<4096x64xf32, #tpu.memory_space<hbm>>
    tpu.wait_indirect_dma semaphore(%arg7 : memref<!tpu.dma_semaphore, #tpu.memory_space<semaphore_mem>>) src(%dma_wait3A_112 : memref<4096x64xf32, #tpu.memory_space<hbm>>) dst(%dma_wait3A_107 : memref<128x64xf32, #tpu.memory_space<vmem>>)
    %dma_wait3A_113 = arith.constant 640 : i32
    %dma_wait3A_114 = arith.constant 0 : i32
    %dma_wait3A_115 = tpu.memref_slice %arg6[%dma_wait3A_113, %dma_wait3A_114] : memref<1152x64xf32, #tpu.memory_space<vmem>> -> memref<128x64xf32, #tpu.memory_space<vmem>>
    %dma_wait3A_116 = arith.constant 640 : i32
    %dma_wait3A_117 = tpu.memref_slice %arg5[%dma_wait3A_116] : memref<1152xi32, #tpu.memory_space<vmem>> -> memref<128xi32, #tpu.memory_space<vmem>>
    %dma_wait3A_118 = arith.constant 0 : i32
    %dma_wait3A_119 = arith.constant 0 : i32
    %dma_wait3A_120 = tpu.memref_slice %arg2[%dma_wait3A_118, %dma_wait3A_119] : memref<4096x64xf32, #tpu.memory_space<hbm>> -> memref<4096x64xf32, #tpu.memory_space<hbm>>
    tpu.wait_indirect_dma semaphore(%arg7 : memref<!tpu.dma_semaphore, #tpu.memory_space<semaphore_mem>>) src(%dma_wait3A_120 : memref<4096x64xf32, #tpu.memory_space<hbm>>) dst(%dma_wait3A_115 : memref<128x64xf32, #tpu.memory_space<vmem>>)
    %dma_wait3A_121 = arith.constant 768 : i32
    %dma_wait3A_122 = arith.constant 0 : i32
    %dma_wait3A_123 = tpu.memref_slice %arg6[%dma_wait3A_121, %dma_wait3A_122] : memref<1152x64xf32, #tpu.memory_space<vmem>> -> memref<128x64xf32, #tpu.memory_space<vmem>>
    %dma_wait3A_124 = arith.constant 768 : i32
    %dma_wait3A_125 = tpu.memref_slice %arg5[%dma_wait3A_124] : memref<1152xi32, #tpu.memory_space<vmem>> -> memref<128xi32, #tpu.memory_space<vmem>>
    %dma_wait3A_126 = arith.constant 0 : i32
    %dma_wait3A_127 = arith.constant 0 : i32
    %dma_wait3A_128 = tpu.memref_slice %arg2[%dma_wait3A_126, %dma_wait3A_127] : memref<4096x64xf32, #tpu.memory_space<hbm>> -> memref<4096x64xf32, #tpu.memory_space<hbm>>
    tpu.wait_indirect_dma semaphore(%arg7 : memref<!tpu.dma_semaphore, #tpu.memory_space<semaphore_mem>>) src(%dma_wait3A_128 : memref<4096x64xf32, #tpu.memory_space<hbm>>) dst(%dma_wait3A_123 : memref<128x64xf32, #tpu.memory_space<vmem>>)
    %dma_wait3A_129 = arith.constant 896 : i32
    %dma_wait3A_130 = arith.constant 0 : i32
    %dma_wait3A_131 = tpu.memref_slice %arg6[%dma_wait3A_129, %dma_wait3A_130] : memref<1152x64xf32, #tpu.memory_space<vmem>> -> memref<128x64xf32, #tpu.memory_space<vmem>>
    %dma_wait3A_132 = arith.constant 896 : i32
    %dma_wait3A_133 = tpu.memref_slice %arg5[%dma_wait3A_132] : memref<1152xi32, #tpu.memory_space<vmem>> -> memref<128xi32, #tpu.memory_space<vmem>>
    %dma_wait3A_134 = arith.constant 0 : i32
    %dma_wait3A_135 = arith.constant 0 : i32
    %dma_wait3A_136 = tpu.memref_slice %arg2[%dma_wait3A_134, %dma_wait3A_135] : memref<4096x64xf32, #tpu.memory_space<hbm>> -> memref<4096x64xf32, #tpu.memory_space<hbm>>
    tpu.wait_indirect_dma semaphore(%arg7 : memref<!tpu.dma_semaphore, #tpu.memory_space<semaphore_mem>>) src(%dma_wait3A_136 : memref<4096x64xf32, #tpu.memory_space<hbm>>) dst(%dma_wait3A_131 : memref<128x64xf32, #tpu.memory_space<vmem>>)
    %dma_wait3A_137 = arith.constant 1024 : i32
    %dma_wait3A_138 = arith.constant 0 : i32
    %dma_wait3A_139 = tpu.memref_slice %arg6[%dma_wait3A_137, %dma_wait3A_138] : memref<1152x64xf32, #tpu.memory_space<vmem>> -> memref<128x64xf32, #tpu.memory_space<vmem>>
    %dma_wait3A_140 = arith.constant 1024 : i32
    %dma_wait3A_141 = tpu.memref_slice %arg5[%dma_wait3A_140] : memref<1152xi32, #tpu.memory_space<vmem>> -> memref<128xi32, #tpu.memory_space<vmem>>
    %dma_wait3A_142 = arith.constant 0 : i32
    %dma_wait3A_143 = arith.constant 0 : i32
    %dma_wait3A_144 = tpu.memref_slice %arg2[%dma_wait3A_142, %dma_wait3A_143] : memref<4096x64xf32, #tpu.memory_space<hbm>> -> memref<4096x64xf32, #tpu.memory_space<hbm>>
    tpu.wait_indirect_dma semaphore(%arg7 : memref<!tpu.dma_semaphore, #tpu.memory_space<semaphore_mem>>) src(%dma_wait3A_144 : memref<4096x64xf32, #tpu.memory_space<hbm>>) dst(%dma_wait3A_139 : memref<128x64xf32, #tpu.memory_space<vmem>>)
    %mul3A_145 = arith.constant 2 : i32
    %mul3A_146 = arith.muli %add3A, %mul3A_145 : i32
    %add3A_147 = arith.constant 0 : i32
    %add3A_148 = arith.addi %mul3A_146, %add3A_147 : i32
    %jit3A = arith.constant 4 : i32
    %div3A = arith.divsi %add3A_148, %jit3A : i32
    %sign3A = arith.constant 0 : i32
    %sign3A_149 = arith.cmpi sgt, %add3A_148, %sign3A : i32
    %sign3A_150 = arith.extui %sign3A_149 : i1 to i32
    %sign3A_151 = arith.constant 0 : i32
    %sign3A_152 = arith.cmpi slt, %add3A_148, %sign3A_151 : i32
    %sign3A_153 = arith.extui %sign3A_152 : i1 to i32
    %sign3A_154 = arith.subi %sign3A_150, %sign3A_153 : i32
    %sign3A_155 = arith.constant 0 : i32
    %sign3A_156 = arith.cmpi sgt, %jit3A, %sign3A_155 : i32
    %sign3A_157 = arith.extui %sign3A_156 : i1 to i32
    %sign3A_158 = arith.constant 0 : i32
    %sign3A_159 = arith.cmpi slt, %jit3A, %sign3A_158 : i32
    %sign3A_160 = arith.extui %sign3A_159 : i1 to i32
    %sign3A_161 = arith.subi %sign3A_157, %sign3A_160 : i32
    %ne3A = arith.cmpi ne, %sign3A_154, %sign3A_161 : i32
    %rem3A = arith.remsi %add3A_148, %jit3A : i32
    %ne3A_162 = arith.constant 0 : i32
    %ne3A_163 = arith.cmpi ne, %rem3A, %ne3A_162 : i32
    %and3A = arith.andi %ne3A, %ne3A_163 : i1
    %sub3A = arith.constant 1 : i32
    %sub3A_164 = arith.subi %div3A, %sub3A : i32
    %select_n3A = arith.select %and3A, %sub3A_164, %div3A : i32
    %rem3A_165 = arith.constant 4 : i32
    %rem3A_166 = arith.remsi %add3A_148, %rem3A_165 : i32
    %mul3A_167 = arith.constant 576 : i32
    %mul3A_168 = arith.muli %select_n3A, %mul3A_167 : i32
    %multiple_of3A_169 = tpu.assume_multiple %mul3A_168, 8 : i32
    %mul3A_170 = arith.constant 64 : i32
    %mul3A_171 = arith.muli %rem3A_166, %mul3A_170 : i32
    %multiple_of3A_172 = tpu.assume_multiple %mul3A_171, 8 : i32
    "tpu.region"() ({
      %run_scoped3A = tpu.sem_alloc : memref<!tpu.dma_semaphore, #tpu.memory_space<semaphore_mem>>
      %dma_start3A_209 = arith.constant 0 : i32
      %dma_start3A_210 = arith.constant 0 : i32
      %dma_start3A_211 = tpu.memref_slice %arg6[%dma_start3A_209, %dma_start3A_210] : memref<1152x64xf32, #tpu.memory_space<vmem>> -> memref<576x64xf32, #tpu.memory_space<vmem>>
      %dma_start3A_212 = tpu.memref_slice %arg4[%multiple_of3A_169, %multiple_of3A_172] : memref<9216x256xf32, #tpu.memory_space<hbm>> -> memref<576x64xf32, #tpu.memory_space<hbm>>
      %dma_start3A_213 = tpu.memref_slice %arg4[%multiple_of3A_169, %multiple_of3A_172] : memref<9216x256xf32, #tpu.memory_space<hbm>> -> memref<576x64xf32, #tpu.memory_space<hbm>>
      %dma_start3A_214 = arith.constant 0 : i32
      %dma_start3A_215 = arith.constant 0 : i32
      %dma_start3A_216 = tpu.memref_slice %arg6[%dma_start3A_214, %dma_start3A_215] : memref<1152x64xf32, #tpu.memory_space<vmem>> -> memref<576x64xf32, #tpu.memory_space<vmem>>
      tpu.enqueue_dma source(%dma_start3A_216 : memref<576x64xf32, #tpu.memory_space<vmem>>) target(%dma_start3A_213 : memref<576x64xf32, #tpu.memory_space<hbm>>) target_semaphore(%run_scoped3A : memref<!tpu.dma_semaphore, #tpu.memory_space<semaphore_mem>>)
      %dma_wait3A_217 = arith.constant 0 : i32
      %dma_wait3A_218 = arith.constant 0 : i32
      %dma_wait3A_219 = tpu.memref_slice %arg6[%dma_wait3A_217, %dma_wait3A_218] : memref<1152x64xf32, #tpu.memory_space<vmem>> -> memref<576x64xf32, #tpu.memory_space<vmem>>
      %dma_wait3A_220 = tpu.memref_slice %arg4[%multiple_of3A_169, %multiple_of3A_172] : memref<9216x256xf32, #tpu.memory_space<hbm>> -> memref<576x64xf32, #tpu.memory_space<hbm>>
      %dma_wait3A_221 = tpu.memref_slice %arg4[%multiple_of3A_169, %multiple_of3A_172] : memref<9216x256xf32, #tpu.memory_space<hbm>> -> memref<576x64xf32, #tpu.memory_space<hbm>>
      %dma_wait3A_222 = arith.constant 0 : i32
      %dma_wait3A_223 = arith.constant 0 : i32
      %dma_wait3A_224 = tpu.memref_slice %arg6[%dma_wait3A_222, %dma_wait3A_223] : memref<1152x64xf32, #tpu.memory_space<vmem>> -> memref<576x64xf32, #tpu.memory_space<vmem>>
      tpu.wait_dma2 semaphore(%run_scoped3A : memref<!tpu.dma_semaphore, #tpu.memory_space<semaphore_mem>>) src(%dma_wait3A_224 : memref<576x64xf32, #tpu.memory_space<vmem>>) dst(%dma_wait3A_221 : memref<576x64xf32, #tpu.memory_space<hbm>>)
      tpu.yield
    }) : () -> ()
    %mul3A_173 = arith.constant 2 : i32
    %mul3A_174 = arith.muli %add3A, %mul3A_173 : i32
    %add3A_175 = arith.constant 1 : i32
    %add3A_176 = arith.addi %mul3A_174, %add3A_175 : i32
    %jit3A_177 = arith.constant 4 : i32
    %div3A_178 = arith.divsi %add3A_176, %jit3A_177 : i32
    %sign3A_179 = arith.constant 0 : i32
    %sign3A_180 = arith.cmpi sgt, %add3A_176, %sign3A_179 : i32
    %sign3A_181 = arith.extui %sign3A_180 : i1 to i32
    %sign3A_182 = arith.constant 0 : i32
    %sign3A_183 = arith.cmpi slt, %add3A_176, %sign3A_182 : i32
    %sign3A_184 = arith.extui %sign3A_183 : i1 to i32
    %sign3A_185 = arith.subi %sign3A_181, %sign3A_184 : i32
    %sign3A_186 = arith.constant 0 : i32
    %sign3A_187 = arith.cmpi sgt, %jit3A_177, %sign3A_186 : i32
    %sign3A_188 = arith.extui %sign3A_187 : i1 to i32
    %sign3A_189 = arith.constant 0 : i32
    %sign3A_190 = arith.cmpi slt, %jit3A_177, %sign3A_189 : i32
    %sign3A_191 = arith.extui %sign3A_190 : i1 to i32
    %sign3A_192 = arith.subi %sign3A_188, %sign3A_191 : i32
    %ne3A_193 = arith.cmpi ne, %sign3A_185, %sign3A_192 : i32
    %rem3A_194 = arith.remsi %add3A_176, %jit3A_177 : i32
    %ne3A_195 = arith.constant 0 : i32
    %ne3A_196 = arith.cmpi ne, %rem3A_194, %ne3A_195 : i32
    %and3A_197 = arith.andi %ne3A_193, %ne3A_196 : i1
    %sub3A_198 = arith.constant 1 : i32
    %sub3A_199 = arith.subi %div3A_178, %sub3A_198 : i32
    %select_n3A_200 = arith.select %and3A_197, %sub3A_199, %div3A_178 : i32
    %rem3A_201 = arith.constant 4 : i32
    %rem3A_202 = arith.remsi %add3A_176, %rem3A_201 : i32
    %mul3A_203 = arith.constant 576 : i32
    %mul3A_204 = arith.muli %select_n3A_200, %mul3A_203 : i32
    %multiple_of3A_205 = tpu.assume_multiple %mul3A_204, 8 : i32
    %mul3A_206 = arith.constant 64 : i32
    %mul3A_207 = arith.muli %rem3A_202, %mul3A_206 : i32
    %multiple_of3A_208 = tpu.assume_multiple %mul3A_207, 8 : i32
    "tpu.region"() ({
      %run_scoped3A = tpu.sem_alloc : memref<!tpu.dma_semaphore, #tpu.memory_space<semaphore_mem>>
      %dma_start3A_209 = arith.constant 576 : i32
      %dma_start3A_210 = arith.constant 0 : i32
      %dma_start3A_211 = tpu.memref_slice %arg6[%dma_start3A_209, %dma_start3A_210] : memref<1152x64xf32, #tpu.memory_space<vmem>> -> memref<576x64xf32, #tpu.memory_space<vmem>>
      %dma_start3A_212 = tpu.memref_slice %arg4[%multiple_of3A_205, %multiple_of3A_208] : memref<9216x256xf32, #tpu.memory_space<hbm>> -> memref<576x64xf32, #tpu.memory_space<hbm>>
      %dma_start3A_213 = tpu.memref_slice %arg4[%multiple_of3A_205, %multiple_of3A_208] : memref<9216x256xf32, #tpu.memory_space<hbm>> -> memref<576x64xf32, #tpu.memory_space<hbm>>
      %dma_start3A_214 = arith.constant 576 : i32
      %dma_start3A_215 = arith.constant 0 : i32
      %dma_start3A_216 = tpu.memref_slice %arg6[%dma_start3A_214, %dma_start3A_215] : memref<1152x64xf32, #tpu.memory_space<vmem>> -> memref<576x64xf32, #tpu.memory_space<vmem>>
      tpu.enqueue_dma source(%dma_start3A_216 : memref<576x64xf32, #tpu.memory_space<vmem>>) target(%dma_start3A_213 : memref<576x64xf32, #tpu.memory_space<hbm>>) target_semaphore(%run_scoped3A : memref<!tpu.dma_semaphore, #tpu.memory_space<semaphore_mem>>)
      %dma_wait3A_217 = arith.constant 576 : i32
      %dma_wait3A_218 = arith.constant 0 : i32
      %dma_wait3A_219 = tpu.memref_slice %arg6[%dma_wait3A_217, %dma_wait3A_218] : memref<1152x64xf32, #tpu.memory_space<vmem>> -> memref<576x64xf32, #tpu.memory_space<vmem>>
      %dma_wait3A_220 = tpu.memref_slice %arg4[%multiple_of3A_205, %multiple_of3A_208] : memref<9216x256xf32, #tpu.memory_space<hbm>> -> memref<576x64xf32, #tpu.memory_space<hbm>>
      %dma_wait3A_221 = tpu.memref_slice %arg4[%multiple_of3A_205, %multiple_of3A_208] : memref<9216x256xf32, #tpu.memory_space<hbm>> -> memref<576x64xf32, #tpu.memory_space<hbm>>
      %dma_wait3A_222 = arith.constant 576 : i32
      %dma_wait3A_223 = arith.constant 0 : i32
      %dma_wait3A_224 = tpu.memref_slice %arg6[%dma_wait3A_222, %dma_wait3A_223] : memref<1152x64xf32, #tpu.memory_space<vmem>> -> memref<576x64xf32, #tpu.memory_space<vmem>>
      tpu.wait_dma2 semaphore(%run_scoped3A : memref<!tpu.dma_semaphore, #tpu.memory_space<semaphore_mem>>) src(%dma_wait3A_224 : memref<576x64xf32, #tpu.memory_space<vmem>>) dst(%dma_wait3A_221 : memref<576x64xf32, #tpu.memory_space<hbm>>)
      tpu.yield
    }) : () -> ()
    return
  }
}

module attributes {stable_mosaic.version = 14 : i64} {
  func.func @_dist_body(%arg0: i32, %arg1: memref<1x576x256xf32, #tpu.memory_space<vmem>>, %arg2: memref<4x1024x64xf32, #tpu.memory_space<vmem>>, %arg3: memref<1x4x576xi32, #tpu.memory_space<vmem>>, %arg4: memref<1x1xf32, #tpu.memory_space<smem>>, %arg5: memref<4x64x1024xf32, #tpu.memory_space<vmem>>) attributes {dimension_semantics = [#tpu.dimension_semantics<arbitrary>], iteration_bounds = array<i64: 16>, scalar_prefetch = 0 : i64, scratch_operands = 1 : i64, tpu.core_type = #tpu.core_type<tc>, window_params = [{transform_indices = @transform_0, window_bounds = array<i64: 1, 576, 256>}, {pipeline_mode = #tpu.pipeline_mode<synchronous>, transform_indices = @transform_1, window_bounds = array<i64: 4, 1024, 64>}, {transform_indices = @transform_2, window_bounds = array<i64: 1, 4, 576>}, {transform_indices = @transform_3, window_bounds = array<i64: 1, 1>}]} {
    %eq3A = arith.constant 0 : i32
    %eq3A_0 = arith.cmpi eq, %arg0, %eq3A : i32
    %convert_element_type3A = arith.extui %eq3A_0 : i1 to i32
    %cond3A = arith.constant 0 : i32
    %cond3A_1 = arith.cmpi ne, %convert_element_type3A, %cond3A : i32
    scf.if %cond3A_1 {
      %swap3A_204 = arith.constant 0.000000e+00 : f32
      %swap3A_205 = arith.constant 0 : index
      %swap3A_206 = arith.constant 0 : index
      %swap3A_207 = memref.load %arg4[%swap3A_205, %swap3A_206] : memref<1x1xf32, #tpu.memory_space<smem>>
      memref.store %swap3A_204, %arg4[%swap3A_205, %swap3A_206] : memref<1x1xf32, #tpu.memory_space<smem>>
      %get3A_208 = arith.constant 0 : index
      %get3A_209 = arith.constant 0 : index
      %get3A_210 = arith.constant 0 : index
      %get3A_211 = vector.load %arg2[%get3A_208, %get3A_209, %get3A_210] : memref<4x1024x64xf32, #tpu.memory_space<vmem>>, vector<1x1024x64xf32>
      %get3A_212 = vector.shape_cast %get3A_211 : vector<1x1024x64xf32> to vector<1024x64xf32>
      %transpose3A_213 = tpu.transpose %get3A_212, [1, 0] : vector<1024x64xf32> -> vector<64x1024xf32>
      %mul3A_214 = arith.constant -2.000000e+00 : f32
      %mul3A_215 = vector.broadcast %mul3A_214 : f32 to vector<64x1024xf32>
      %mul3A_216 = arith.mulf %transpose3A_213, %mul3A_215 : vector<64x1024xf32>
      %swap3A_217 = arith.constant 0 : index
      %swap3A_218 = arith.constant 0 : index
      %swap3A_219 = arith.constant 0 : index
      %swap3A_220 = vector.load %arg5[%swap3A_217, %swap3A_218, %swap3A_219] : memref<4x64x1024xf32, #tpu.memory_space<vmem>>, vector<1x64x1024xf32>
      %swap3A_221 = vector.shape_cast %swap3A_220 : vector<1x64x1024xf32> to vector<64x1024xf32>
      %swap3A_222 = vector.shape_cast %mul3A_216 : vector<64x1024xf32> to vector<1x64x1024xf32>
      tpu.vector_store %arg5[%swap3A_217, %swap3A_218, %swap3A_219], %swap3A_222 {strides = array<i32>} : memref<4x64x1024xf32, #tpu.memory_space<vmem>>, vector<1x64x1024xf32>,
      %get3A_223 = arith.constant 1 : index
      %get3A_224 = arith.constant 0 : index
      %get3A_225 = arith.constant 0 : index
      %get3A_226 = vector.load %arg2[%get3A_223, %get3A_224, %get3A_225] : memref<4x1024x64xf32, #tpu.memory_space<vmem>>, vector<1x1024x64xf32>
      %get3A_227 = vector.shape_cast %get3A_226 : vector<1x1024x64xf32> to vector<1024x64xf32>
      %transpose3A_228 = tpu.transpose %get3A_227, [1, 0] : vector<1024x64xf32> -> vector<64x1024xf32>
      %mul3A_229 = arith.constant -2.000000e+00 : f32
      %mul3A_230 = vector.broadcast %mul3A_229 : f32 to vector<64x1024xf32>
      %mul3A_231 = arith.mulf %transpose3A_228, %mul3A_230 : vector<64x1024xf32>
      %swap3A_232 = arith.constant 1 : index
      %swap3A_233 = arith.constant 0 : index
      %swap3A_234 = arith.constant 0 : index
      %swap3A_235 = vector.load %arg5[%swap3A_232, %swap3A_233, %swap3A_234] : memref<4x64x1024xf32, #tpu.memory_space<vmem>>, vector<1x64x1024xf32>
      %swap3A_236 = vector.shape_cast %swap3A_235 : vector<1x64x1024xf32> to vector<64x1024xf32>
      %swap3A_237 = vector.shape_cast %mul3A_231 : vector<64x1024xf32> to vector<1x64x1024xf32>
      tpu.vector_store %arg5[%swap3A_232, %swap3A_233, %swap3A_234], %swap3A_237 {strides = array<i32>} : memref<4x64x1024xf32, #tpu.memory_space<vmem>>, vector<1x64x1024xf32>,
      %get3A_238 = arith.constant 2 : index
      %get3A_239 = arith.constant 0 : index
      %get3A_240 = arith.constant 0 : index
      %get3A_241 = vector.load %arg2[%get3A_238, %get3A_239, %get3A_240] : memref<4x1024x64xf32, #tpu.memory_space<vmem>>, vector<1x1024x64xf32>
      %get3A_242 = vector.shape_cast %get3A_241 : vector<1x1024x64xf32> to vector<1024x64xf32>
      %transpose3A_243 = tpu.transpose %get3A_242, [1, 0] : vector<1024x64xf32> -> vector<64x1024xf32>
      %mul3A_244 = arith.constant -2.000000e+00 : f32
      %mul3A_245 = vector.broadcast %mul3A_244 : f32 to vector<64x1024xf32>
      %mul3A_246 = arith.mulf %transpose3A_243, %mul3A_245 : vector<64x1024xf32>
      %swap3A_247 = arith.constant 2 : index
      %swap3A_248 = arith.constant 0 : index
      %swap3A_249 = arith.constant 0 : index
      %swap3A_250 = vector.load %arg5[%swap3A_247, %swap3A_248, %swap3A_249] : memref<4x64x1024xf32, #tpu.memory_space<vmem>>, vector<1x64x1024xf32>
      %swap3A_251 = vector.shape_cast %swap3A_250 : vector<1x64x1024xf32> to vector<64x1024xf32>
      %swap3A_252 = vector.shape_cast %mul3A_246 : vector<64x1024xf32> to vector<1x64x1024xf32>
      tpu.vector_store %arg5[%swap3A_247, %swap3A_248, %swap3A_249], %swap3A_252 {strides = array<i32>} : memref<4x64x1024xf32, #tpu.memory_space<vmem>>, vector<1x64x1024xf32>,
      %get3A_253 = arith.constant 3 : index
      %get3A_254 = arith.constant 0 : index
      %get3A_255 = arith.constant 0 : index
      %get3A_256 = vector.load %arg2[%get3A_253, %get3A_254, %get3A_255] : memref<4x1024x64xf32, #tpu.memory_space<vmem>>, vector<1x1024x64xf32>
      %get3A_257 = vector.shape_cast %get3A_256 : vector<1x1024x64xf32> to vector<1024x64xf32>
      %transpose3A_258 = tpu.transpose %get3A_257, [1, 0] : vector<1024x64xf32> -> vector<64x1024xf32>
      %mul3A_259 = arith.constant -2.000000e+00 : f32
      %mul3A_260 = vector.broadcast %mul3A_259 : f32 to vector<64x1024xf32>
      %mul3A_261 = arith.mulf %transpose3A_258, %mul3A_260 : vector<64x1024xf32>
      %swap3A_262 = arith.constant 3 : index
      %swap3A_263 = arith.constant 0 : index
      %swap3A_264 = arith.constant 0 : index
      %swap3A_265 = vector.load %arg5[%swap3A_262, %swap3A_263, %swap3A_264] : memref<4x64x1024xf32, #tpu.memory_space<vmem>>, vector<1x64x1024xf32>
      %swap3A_266 = vector.shape_cast %swap3A_265 : vector<1x64x1024xf32> to vector<64x1024xf32>
      %swap3A_267 = vector.shape_cast %mul3A_261 : vector<64x1024xf32> to vector<1x64x1024xf32>
      tpu.vector_store %arg5[%swap3A_262, %swap3A_263, %swap3A_264], %swap3A_267 {strides = array<i32>} : memref<4x64x1024xf32, #tpu.memory_space<vmem>>, vector<1x64x1024xf32>,
    } else {
    }
    %iota3A = tpu.iota {dimensions = array<i32: 1>} : vector<1x1024xi32>
    %convert_element_type3A_2 = arith.sitofp %iota3A : vector<1x1024xi32> to vector<1x1024xf32>
    %get3A = arith.constant 0 : index
    %get3A_3 = arith.constant 0 : index
    %get3A_4 = arith.constant 0 : index
    %get3A_5 = vector.load %arg1[%get3A, %get3A_3, %get3A_4] : memref<1x576x256xf32, #tpu.memory_space<vmem>>, vector<1x576x256xf32>
    %get3A_6 = vector.shape_cast %get3A_5 : vector<1x576x256xf32> to vector<576x256xf32>
    %slice3A = vector.extract_strided_slice %get3A_6 {offsets = [0, 0], sizes = [576, 64], strides = [1, 1]} : vector<576x256xf32> to vector<576x64xf32>
    %get3A_7 = arith.constant 0 : index
    %get3A_8 = arith.constant 0 : index
    %get3A_9 = arith.constant 0 : index
    %get3A_10 = vector.load %arg5[%get3A_7, %get3A_8, %get3A_9] : memref<4x64x1024xf32, #tpu.memory_space<vmem>>, vector<1x64x1024xf32>
    %get3A_11 = vector.shape_cast %get3A_10 : vector<1x64x1024xf32> to vector<64x1024xf32>
    %mul3A = arith.mulf %slice3A, %slice3A : vector<576x64xf32>
    %reduce_sum3A = arith.constant dense<0.000000e+00> : vector<576xf32>
    %reduce_sum3A_12 = vector.multi_reduction <add>, %mul3A, %reduce_sum3A [1] : vector<576x64xf32> to vector<576xf32>
    %broadcast_in_dim3A = vector.shape_cast %reduce_sum3A_12 : vector<576xf32> to vector<576x1xf32>
    %mul3A_13 = arith.mulf %get3A_11, %get3A_11 : vector<64x1024xf32>
    %reduce_sum3A_14 = arith.constant dense<0.000000e+00> : vector<1024xf32>
    %reduce_sum3A_15 = vector.multi_reduction <add>, %mul3A_13, %reduce_sum3A_14 [0] : vector<64x1024xf32> to vector<1024xf32>
    %broadcast_in_dim3A_16 = vector.shape_cast %reduce_sum3A_15 : vector<1024xf32> to vector<1x1024xf32>
    %mul3A_17 = arith.constant 2.500000e-01 : f32
    %mul3A_18 = vector.broadcast %mul3A_17 : f32 to vector<1x1024xf32>
    %mul3A_19 = arith.mulf %broadcast_in_dim3A_16, %mul3A_18 : vector<1x1024xf32>
    %dot_general3A = arith.constant dense<0.000000e+00> : vector<576x1024xf32>
    %dot_general3A_20 = tpu.matmul %slice3A, %get3A_11, %dot_general3A {dimension_numbers = #tpu.dot_dimension_numbers<[1], [0], [0], [1], [0, 0, 1, 1], [], []>, transpose_lhs_hint = false} : vector<576x64xf32>, vector<64x1024xf32>, vector<576x1024xf32> -> vector<576x1024xf32>
    %add3A = vector.broadcast %broadcast_in_dim3A : vector<576x1xf32> to vector<576x1024xf32>
    %add3A_21 = vector.broadcast %mul3A_19 : vector<1x1024xf32> to vector<576x1024xf32>
    %add3A_22 = arith.addf %add3A, %add3A_21 : vector<576x1024xf32>
    %add3A_23 = arith.addf %add3A_22, %dot_general3A_20 : vector<576x1024xf32>
    %reduce_min3A = arith.constant dense<0x7F800000> : vector<576xf32>
    %reduce_min3A_24 = vector.multi_reduction <minimumf>, %add3A_23, %reduce_min3A [1] : vector<576x1024xf32> to vector<576xf32>
    %broadcast_in_dim3A_25 = vector.shape_cast %reduce_min3A_24 : vector<576xf32> to vector<576x1xf32>
    %eq3A_26 = vector.broadcast %broadcast_in_dim3A_25 : vector<576x1xf32> to vector<576x1024xf32>
    %eq3A_27 = arith.cmpf oeq, %add3A_23, %eq3A_26 : vector<576x1024xf32>
    %jit3A = arith.constant 2.048000e+03 : f32
    %broadcast_in_dim3A_28 = vector.shape_cast %convert_element_type3A_2 : vector<1x1024xf32> to vector<1x1024xf32>
    %broadcast_in_dim3A_29 = vector.broadcast %broadcast_in_dim3A_28 : vector<1x1024xf32> to vector<576x1024xf32>
    %broadcast_in_dim3A_30 = vector.broadcast %jit3A : f32 to vector<576x1024xf32>
    %select_n3A = arith.select %eq3A_27, %broadcast_in_dim3A_29, %broadcast_in_dim3A_30 : vector<576x1024xi1>, vector<576x1024xf32>
    %reduce_min3A_31 = arith.constant dense<0x7F800000> : vector<576xf32>
    %reduce_min3A_32 = vector.multi_reduction <minimumf>, %select_n3A, %reduce_min3A_31 [1] : vector<576x1024xf32> to vector<576xf32>
    %broadcast_in_dim3A_33 = vector.shape_cast %reduce_min3A_32 : vector<576xf32> to vector<576x1xf32>
    %reduce_sum3A_34 = vector.shape_cast %broadcast_in_dim3A_25 : vector<576x1xf32> to vector<1x576x1xf32>
    %reduce_sum3A_35 = arith.constant dense<0.000000e+00> : vector<1xf32>
    %reduce_sum3A_36 = vector.multi_reduction <add>, %reduce_sum3A_34, %reduce_sum3A_35 [1, 2] : vector<1x576x1xf32> to vector<1xf32>
    %reduce_sum3A_37 = vector.shape_cast %reduce_sum3A_36 : vector<1xf32> to vector<1x1x1xf32>
    %reduce_sum3A_38 = vector.extract %reduce_sum3A_37[0, 0, 0] : f32 from vector<1x1x1xf32>
    %add3A_39 = arith.constant 0.000000e+00 : f32
    %add3A_40 = arith.addf %add3A_39, %reduce_sum3A_38 : f32
    %slice3A_41 = vector.extract_strided_slice %get3A_6 {offsets = [0, 64], sizes = [576, 64], strides = [1, 1]} : vector<576x256xf32> to vector<576x64xf32>
    %get3A_42 = arith.constant 1 : index
    %get3A_43 = arith.constant 0 : index
    %get3A_44 = arith.constant 0 : index
    %get3A_45 = vector.load %arg5[%get3A_42, %get3A_43, %get3A_44] : memref<4x64x1024xf32, #tpu.memory_space<vmem>>, vector<1x64x1024xf32>
    %get3A_46 = vector.shape_cast %get3A_45 : vector<1x64x1024xf32> to vector<64x1024xf32>
    %mul3A_47 = arith.mulf %slice3A_41, %slice3A_41 : vector<576x64xf32>
    %reduce_sum3A_48 = arith.constant dense<0.000000e+00> : vector<576xf32>
    %reduce_sum3A_49 = vector.multi_reduction <add>, %mul3A_47, %reduce_sum3A_48 [1] : vector<576x64xf32> to vector<576xf32>
    %broadcast_in_dim3A_50 = vector.shape_cast %reduce_sum3A_49 : vector<576xf32> to vector<576x1xf32>
    %mul3A_51 = arith.mulf %get3A_46, %get3A_46 : vector<64x1024xf32>
    %reduce_sum3A_52 = arith.constant dense<0.000000e+00> : vector<1024xf32>
    %reduce_sum3A_53 = vector.multi_reduction <add>, %mul3A_51, %reduce_sum3A_52 [0] : vector<64x1024xf32> to vector<1024xf32>
    %broadcast_in_dim3A_54 = vector.shape_cast %reduce_sum3A_53 : vector<1024xf32> to vector<1x1024xf32>
    %mul3A_55 = arith.constant 2.500000e-01 : f32
    %mul3A_56 = vector.broadcast %mul3A_55 : f32 to vector<1x1024xf32>
    %mul3A_57 = arith.mulf %broadcast_in_dim3A_54, %mul3A_56 : vector<1x1024xf32>
    %dot_general3A_58 = arith.constant dense<0.000000e+00> : vector<576x1024xf32>
    %dot_general3A_59 = tpu.matmul %slice3A_41, %get3A_46, %dot_general3A_58 {dimension_numbers = #tpu.dot_dimension_numbers<[1], [0], [0], [1], [0, 0, 1, 1], [], []>, transpose_lhs_hint = false} : vector<576x64xf32>, vector<64x1024xf32>, vector<576x1024xf32> -> vector<576x1024xf32>
    %add3A_60 = vector.broadcast %broadcast_in_dim3A_50 : vector<576x1xf32> to vector<576x1024xf32>
    %add3A_61 = vector.broadcast %mul3A_57 : vector<1x1024xf32> to vector<576x1024xf32>
    %add3A_62 = arith.addf %add3A_60, %add3A_61 : vector<576x1024xf32>
    %add3A_63 = arith.addf %add3A_62, %dot_general3A_59 : vector<576x1024xf32>
    %reduce_min3A_64 = arith.constant dense<0x7F800000> : vector<576xf32>
    %reduce_min3A_65 = vector.multi_reduction <minimumf>, %add3A_63, %reduce_min3A_64 [1] : vector<576x1024xf32> to vector<576xf32>
    %broadcast_in_dim3A_66 = vector.shape_cast %reduce_min3A_65 : vector<576xf32> to vector<576x1xf32>
    %eq3A_67 = vector.broadcast %broadcast_in_dim3A_66 : vector<576x1xf32> to vector<576x1024xf32>
    %eq3A_68 = arith.cmpf oeq, %add3A_63, %eq3A_67 : vector<576x1024xf32>
    %jit3A_69 = arith.constant 2.048000e+03 : f32
    %broadcast_in_dim3A_70 = vector.shape_cast %convert_element_type3A_2 : vector<1x1024xf32> to vector<1x1024xf32>
    %broadcast_in_dim3A_71 = vector.broadcast %broadcast_in_dim3A_70 : vector<1x1024xf32> to vector<576x1024xf32>
    %broadcast_in_dim3A_72 = vector.broadcast %jit3A_69 : f32 to vector<576x1024xf32>
    %select_n3A_73 = arith.select %eq3A_68, %broadcast_in_dim3A_71, %broadcast_in_dim3A_72 : vector<576x1024xi1>, vector<576x1024xf32>
    %reduce_min3A_74 = arith.constant dense<0x7F800000> : vector<576xf32>
    %reduce_min3A_75 = vector.multi_reduction <minimumf>, %select_n3A_73, %reduce_min3A_74 [1] : vector<576x1024xf32> to vector<576xf32>
    %broadcast_in_dim3A_76 = vector.shape_cast %reduce_min3A_75 : vector<576xf32> to vector<576x1xf32>
    %reduce_sum3A_77 = vector.shape_cast %broadcast_in_dim3A_66 : vector<576x1xf32> to vector<1x576x1xf32>
    %reduce_sum3A_78 = arith.constant dense<0.000000e+00> : vector<1xf32>
    %reduce_sum3A_79 = vector.multi_reduction <add>, %reduce_sum3A_77, %reduce_sum3A_78 [1, 2] : vector<1x576x1xf32> to vector<1xf32>
    %reduce_sum3A_80 = vector.shape_cast %reduce_sum3A_79 : vector<1xf32> to vector<1x1x1xf32>
    %reduce_sum3A_81 = vector.extract %reduce_sum3A_80[0, 0, 0] : f32 from vector<1x1x1xf32>
    %add3A_82 = arith.addf %add3A_40, %reduce_sum3A_81 : f32
    %slice3A_83 = vector.extract_strided_slice %get3A_6 {offsets = [0, 128], sizes = [576, 64], strides = [1, 1]} : vector<576x256xf32> to vector<576x64xf32>
    %get3A_84 = arith.constant 2 : index
    %get3A_85 = arith.constant 0 : index
    %get3A_86 = arith.constant 0 : index
    %get3A_87 = vector.load %arg5[%get3A_84, %get3A_85, %get3A_86] : memref<4x64x1024xf32, #tpu.memory_space<vmem>>, vector<1x64x1024xf32>
    %get3A_88 = vector.shape_cast %get3A_87 : vector<1x64x1024xf32> to vector<64x1024xf32>
    %mul3A_89 = arith.mulf %slice3A_83, %slice3A_83 : vector<576x64xf32>
    %reduce_sum3A_90 = arith.constant dense<0.000000e+00> : vector<576xf32>
    %reduce_sum3A_91 = vector.multi_reduction <add>, %mul3A_89, %reduce_sum3A_90 [1] : vector<576x64xf32> to vector<576xf32>
    %broadcast_in_dim3A_92 = vector.shape_cast %reduce_sum3A_91 : vector<576xf32> to vector<576x1xf32>
    %mul3A_93 = arith.mulf %get3A_88, %get3A_88 : vector<64x1024xf32>
    %reduce_sum3A_94 = arith.constant dense<0.000000e+00> : vector<1024xf32>
    %reduce_sum3A_95 = vector.multi_reduction <add>, %mul3A_93, %reduce_sum3A_94 [0] : vector<64x1024xf32> to vector<1024xf32>
    %broadcast_in_dim3A_96 = vector.shape_cast %reduce_sum3A_95 : vector<1024xf32> to vector<1x1024xf32>
    %mul3A_97 = arith.constant 2.500000e-01 : f32
    %mul3A_98 = vector.broadcast %mul3A_97 : f32 to vector<1x1024xf32>
    %mul3A_99 = arith.mulf %broadcast_in_dim3A_96, %mul3A_98 : vector<1x1024xf32>
    %dot_general3A_100 = arith.constant dense<0.000000e+00> : vector<576x1024xf32>
    %dot_general3A_101 = tpu.matmul %slice3A_83, %get3A_88, %dot_general3A_100 {dimension_numbers = #tpu.dot_dimension_numbers<[1], [0], [0], [1], [0, 0, 1, 1], [], []>, transpose_lhs_hint = false} : vector<576x64xf32>, vector<64x1024xf32>, vector<576x1024xf32> -> vector<576x1024xf32>
    %add3A_102 = vector.broadcast %broadcast_in_dim3A_92 : vector<576x1xf32> to vector<576x1024xf32>
    %add3A_103 = vector.broadcast %mul3A_99 : vector<1x1024xf32> to vector<576x1024xf32>
    %add3A_104 = arith.addf %add3A_102, %add3A_103 : vector<576x1024xf32>
    %add3A_105 = arith.addf %add3A_104, %dot_general3A_101 : vector<576x1024xf32>
    %reduce_min3A_106 = arith.constant dense<0x7F800000> : vector<576xf32>
    %reduce_min3A_107 = vector.multi_reduction <minimumf>, %add3A_105, %reduce_min3A_106 [1] : vector<576x1024xf32> to vector<576xf32>
    %broadcast_in_dim3A_108 = vector.shape_cast %reduce_min3A_107 : vector<576xf32> to vector<576x1xf32>
    %eq3A_109 = vector.broadcast %broadcast_in_dim3A_108 : vector<576x1xf32> to vector<576x1024xf32>
    %eq3A_110 = arith.cmpf oeq, %add3A_105, %eq3A_109 : vector<576x1024xf32>
    %jit3A_111 = arith.constant 2.048000e+03 : f32
    %broadcast_in_dim3A_112 = vector.shape_cast %convert_element_type3A_2 : vector<1x1024xf32> to vector<1x1024xf32>
    %broadcast_in_dim3A_113 = vector.broadcast %broadcast_in_dim3A_112 : vector<1x1024xf32> to vector<576x1024xf32>
    %broadcast_in_dim3A_114 = vector.broadcast %jit3A_111 : f32 to vector<576x1024xf32>
    %select_n3A_115 = arith.select %eq3A_110, %broadcast_in_dim3A_113, %broadcast_in_dim3A_114 : vector<576x1024xi1>, vector<576x1024xf32>
    %reduce_min3A_116 = arith.constant dense<0x7F800000> : vector<576xf32>
    %reduce_min3A_117 = vector.multi_reduction <minimumf>, %select_n3A_115, %reduce_min3A_116 [1] : vector<576x1024xf32> to vector<576xf32>
    %broadcast_in_dim3A_118 = vector.shape_cast %reduce_min3A_117 : vector<576xf32> to vector<576x1xf32>
    %reduce_sum3A_119 = vector.shape_cast %broadcast_in_dim3A_108 : vector<576x1xf32> to vector<1x576x1xf32>
    %reduce_sum3A_120 = arith.constant dense<0.000000e+00> : vector<1xf32>
    %reduce_sum3A_121 = vector.multi_reduction <add>, %reduce_sum3A_119, %reduce_sum3A_120 [1, 2] : vector<1x576x1xf32> to vector<1xf32>
    %reduce_sum3A_122 = vector.shape_cast %reduce_sum3A_121 : vector<1xf32> to vector<1x1x1xf32>
    %reduce_sum3A_123 = vector.extract %reduce_sum3A_122[0, 0, 0] : f32 from vector<1x1x1xf32>
    %add3A_124 = arith.addf %add3A_82, %reduce_sum3A_123 : f32
    %slice3A_125 = vector.extract_strided_slice %get3A_6 {offsets = [0, 192], sizes = [576, 64], strides = [1, 1]} : vector<576x256xf32> to vector<576x64xf32>
    %get3A_126 = arith.constant 3 : index
    %get3A_127 = arith.constant 0 : index
    %get3A_128 = arith.constant 0 : index
    %get3A_129 = vector.load %arg5[%get3A_126, %get3A_127, %get3A_128] : memref<4x64x1024xf32, #tpu.memory_space<vmem>>, vector<1x64x1024xf32>
    %get3A_130 = vector.shape_cast %get3A_129 : vector<1x64x1024xf32> to vector<64x1024xf32>
    %mul3A_131 = arith.mulf %slice3A_125, %slice3A_125 : vector<576x64xf32>
    %reduce_sum3A_132 = arith.constant dense<0.000000e+00> : vector<576xf32>
    %reduce_sum3A_133 = vector.multi_reduction <add>, %mul3A_131, %reduce_sum3A_132 [1] : vector<576x64xf32> to vector<576xf32>
    %broadcast_in_dim3A_134 = vector.shape_cast %reduce_sum3A_133 : vector<576xf32> to vector<576x1xf32>
    %mul3A_135 = arith.mulf %get3A_130, %get3A_130 : vector<64x1024xf32>
    %reduce_sum3A_136 = arith.constant dense<0.000000e+00> : vector<1024xf32>
    %reduce_sum3A_137 = vector.multi_reduction <add>, %mul3A_135, %reduce_sum3A_136 [0] : vector<64x1024xf32> to vector<1024xf32>
    %broadcast_in_dim3A_138 = vector.shape_cast %reduce_sum3A_137 : vector<1024xf32> to vector<1x1024xf32>
    %mul3A_139 = arith.constant 2.500000e-01 : f32
    %mul3A_140 = vector.broadcast %mul3A_139 : f32 to vector<1x1024xf32>
    %mul3A_141 = arith.mulf %broadcast_in_dim3A_138, %mul3A_140 : vector<1x1024xf32>
    %dot_general3A_142 = arith.constant dense<0.000000e+00> : vector<576x1024xf32>
    %dot_general3A_143 = tpu.matmul %slice3A_125, %get3A_130, %dot_general3A_142 {dimension_numbers = #tpu.dot_dimension_numbers<[1], [0], [0], [1], [0, 0, 1, 1], [], []>, transpose_lhs_hint = false} : vector<576x64xf32>, vector<64x1024xf32>, vector<576x1024xf32> -> vector<576x1024xf32>
    %add3A_144 = vector.broadcast %broadcast_in_dim3A_134 : vector<576x1xf32> to vector<576x1024xf32>
    %add3A_145 = vector.broadcast %mul3A_141 : vector<1x1024xf32> to vector<576x1024xf32>
    %add3A_146 = arith.addf %add3A_144, %add3A_145 : vector<576x1024xf32>
    %add3A_147 = arith.addf %add3A_146, %dot_general3A_143 : vector<576x1024xf32>
    %reduce_min3A_148 = arith.constant dense<0x7F800000> : vector<576xf32>
    %reduce_min3A_149 = vector.multi_reduction <minimumf>, %add3A_147, %reduce_min3A_148 [1] : vector<576x1024xf32> to vector<576xf32>
    %broadcast_in_dim3A_150 = vector.shape_cast %reduce_min3A_149 : vector<576xf32> to vector<576x1xf32>
    %eq3A_151 = vector.broadcast %broadcast_in_dim3A_150 : vector<576x1xf32> to vector<576x1024xf32>
    %eq3A_152 = arith.cmpf oeq, %add3A_147, %eq3A_151 : vector<576x1024xf32>
    %jit3A_153 = arith.constant 2.048000e+03 : f32
    %broadcast_in_dim3A_154 = vector.shape_cast %convert_element_type3A_2 : vector<1x1024xf32> to vector<1x1024xf32>
    %broadcast_in_dim3A_155 = vector.broadcast %broadcast_in_dim3A_154 : vector<1x1024xf32> to vector<576x1024xf32>
    %broadcast_in_dim3A_156 = vector.broadcast %jit3A_153 : f32 to vector<576x1024xf32>
    %select_n3A_157 = arith.select %eq3A_152, %broadcast_in_dim3A_155, %broadcast_in_dim3A_156 : vector<576x1024xi1>, vector<576x1024xf32>
    %reduce_min3A_158 = arith.constant dense<0x7F800000> : vector<576xf32>
    %reduce_min3A_159 = vector.multi_reduction <minimumf>, %select_n3A_157, %reduce_min3A_158 [1] : vector<576x1024xf32> to vector<576xf32>
    %broadcast_in_dim3A_160 = vector.shape_cast %reduce_min3A_159 : vector<576xf32> to vector<576x1xf32>
    %reduce_sum3A_161 = vector.shape_cast %broadcast_in_dim3A_150 : vector<576x1xf32> to vector<1x576x1xf32>
    %reduce_sum3A_162 = arith.constant dense<0.000000e+00> : vector<1xf32>
    %reduce_sum3A_163 = vector.multi_reduction <add>, %reduce_sum3A_161, %reduce_sum3A_162 [1, 2] : vector<1x576x1xf32> to vector<1xf32>
    %reduce_sum3A_164 = vector.shape_cast %reduce_sum3A_163 : vector<1xf32> to vector<1x1x1xf32>
    %reduce_sum3A_165 = vector.extract %reduce_sum3A_164[0, 0, 0] : f32 from vector<1x1x1xf32>
    %add3A_166 = arith.addf %add3A_124, %reduce_sum3A_165 : f32
    %concatenate3A = tpu.concatenate %broadcast_in_dim3A_33, %broadcast_in_dim3A_76, %broadcast_in_dim3A_118, %broadcast_in_dim3A_160 in 1 : vector<576x1xf32>, vector<576x1xf32>, vector<576x1xf32>, vector<576x1xf32> -> vector<576x4xf32>
    %transpose3A = tpu.transpose %concatenate3A, [1, 0] : vector<576x4xf32> -> vector<4x576xf32>
    %iota3A_167 = tpu.iota {dimensions = array<i32: 0>} : vector<4x1xi32>
    %jit3A_168 = arith.constant 4 : i32
    %eq3A_169 = arith.constant 0 : i32
    %eq3A_170 = arith.cmpi eq, %jit3A_168, %eq3A_169 : i32
    %jit3A_171 = arith.constant 1 : i32
    %select_n3A_172 = arith.select %eq3A_170, %jit3A_171, %jit3A_168 : i32
    %rem3A = vector.broadcast %select_n3A_172 : i32 to vector<4x1xi32>
    %rem3A_173 = arith.remsi %iota3A_167, %rem3A : vector<4x1xi32>
    %ne3A = arith.constant 0 : i32
    %ne3A_174 = vector.broadcast %ne3A : i32 to vector<4x1xi32>
    %ne3A_175 = arith.cmpi ne, %rem3A_173, %ne3A_174 : vector<4x1xi32>
    %lt3A = arith.constant 0 : i32
    %lt3A_176 = vector.broadcast %lt3A : i32 to vector<4x1xi32>
    %lt3A_177 = arith.cmpi slt, %rem3A_173, %lt3A_176 : vector<4x1xi32>
    %lt3A_178 = arith.constant 0 : i32
    %lt3A_179 = arith.cmpi slt, %select_n3A_172, %lt3A_178 : i32
    %ne3A_180 = vector.broadcast %lt3A_179 : i1 to vector<4x1xi1>
    %ne3A_181 = vector.broadcast %ne3A_180 : vector<4x1xi1> to vector<4x1xi1>
    %ne3A_182 = arith.xori %lt3A_177, %ne3A_181 : vector<4x1xi1>
    %and3A = arith.andi %ne3A_182, %ne3A_175 : vector<4x1xi1>
    %add3A_183 = vector.broadcast %select_n3A_172 : i32 to vector<4x1xi32>
    %add3A_184 = arith.addi %rem3A_173, %add3A_183 : vector<4x1xi32>
    %select_n3A_185 = arith.select %and3A, %add3A_184, %rem3A_173 : vector<4x1xi1>, vector<4x1xi32>
    %mul3A_186 = arith.constant 1024 : i32
    %mul3A_187 = vector.broadcast %mul3A_186 : i32 to vector<4x1xi32>
    %mul3A_188 = arith.muli %select_n3A_185, %mul3A_187 : vector<4x1xi32>
    %convert_element_type3A_189 = arith.fptosi %transpose3A : vector<4x576xf32> to vector<4x576xi32>
    %add3A_190 = vector.broadcast %mul3A_188 : vector<4x1xi32> to vector<4x576xi32>
    %add3A_191 = arith.addi %convert_element_type3A_189, %add3A_190 : vector<4x576xi32>
    %reshape3A = vector.shape_cast %add3A_191 : vector<4x576xi32> to vector<1x4x576xi32>
    %swap3A = arith.constant 0 : index
    %swap3A_192 = arith.constant 0 : index
    %swap3A_193 = arith.constant 0 : index
    %swap3A_194 = vector.load %arg3[%swap3A, %swap3A_192, %swap3A_193] : memref<1x4x576xi32, #tpu.memory_space<vmem>>, vector<1x4x576xi32>
    tpu.vector_store %arg3[%swap3A, %swap3A_192, %swap3A_193], %reshape3A {strides = array<i32>} : memref<1x4x576xi32, #tpu.memory_space<vmem>>, vector<1x4x576xi32>,
    %get3A_195 = arith.constant 0 : index
    %get3A_196 = arith.constant 0 : index
    %get3A_197 = memref.load %arg4[%get3A_195, %get3A_196] : memref<1x1xf32, #tpu.memory_space<smem>>
    %mul3A_198 = arith.constant 2.11927636E-6 : f32
    %mul3A_199 = arith.mulf %add3A_166, %mul3A_198 : f32
    %add3A_200 = arith.addf %get3A_197, %mul3A_199 : f32
    %swap3A_201 = arith.constant 0 : index
    %swap3A_202 = arith.constant 0 : index
    %swap3A_203 = memref.load %arg4[%swap3A_201, %swap3A_202] : memref<1x1xf32, #tpu.memory_space<smem>>
    memref.store %add3A_200, %arg4[%swap3A_201, %swap3A_202] : memref<1x1xf32, #tpu.memory_space<smem>>
    return
  }
  func.func @transform_0(%arg0: i32) -> (i32, i32, i32) {
    %c0_i32 = arith.constant 0 : i32
    %c0_i32_0 = arith.constant 0 : i32
    %c0_i32_1 = arith.constant 0 : i32
    return %arg0, %c0_i32, %c0_i32_0 : i32, i32, i32
  }
  func.func @transform_1(%arg0: i32) -> (i32, i32, i32) {
    %c0_i32 = arith.constant 0 : i32
    %c0_i32_0 = arith.constant 0 : i32
    %c0_i32_1 = arith.constant 0 : i32
    %c0_i32_2 = arith.constant 0 : i32
    return %c0_i32, %c0_i32_0, %c0_i32_1 : i32, i32, i32
  }
  func.func @transform_2(%arg0: i32) -> (i32, i32, i32) {
    %c0_i32 = arith.constant 0 : i32
    %c0_i32_0 = arith.constant 0 : i32
    %c0_i32_1 = arith.constant 0 : i32
    return %arg0, %c0_i32, %c0_i32_0 : i32, i32, i32
  }
  func.func @transform_3(%arg0: i32) -> (i32, i32) {
    %c0_i32 = arith.constant 0 : i32
    %c0_i32_0 = arith.constant 0 : i32
    %c0_i32_1 = arith.constant 0 : i32
    return %c0_i32, %c0_i32_0 : i32, i32
  }
}

</mosaic_0001>

<sc_bundles>
// kernel: kernel.4.cloned.1.call-start
scs
__scs_entry_jumppad:
0x0: {  	(pc) =	sbr.rel $0x88, $3  }
0x1: {  	(tag) =	ssettag $0x0;
	lr =	simm.s32 $0x1  }
0x2: {  	[smem:$0x3F9F] =	sst lr;
	_ =	strace $0xD0000000  }
0x3: {  	_ = 	snop  }
0x4: {  	_ = 	snop  }
0x5: {  	_ = 	snop  }
0x6: {  	_ = 	snop  }
0x7: {  	_ = 	snop  }
__scs_overlays_trampoline_lowered:
0x8: {  	[smem:$0x3FAE] =	sst s0  }
0x9: {  	[smem:$0x3FAF] =	sst s1  }
0xa: {  	[smem:$0x3FB0] =	sst s2  }
0xb: {  	[smem:$0x3FB1] =	sst s3  }
0xc: {  	[smem:$0x3FB2] =	sst s4  }
0xd: {  	[smem:$0x3FB3] =	sst s5  }
0xe: {  	[smem:$0x3FB4] =	sst s6  }
0xf: {  	[smem:$0x3FB5] =	sst s7  }
0x10: {  	[smem:$0x3FB6] =	sst s8  }
0x11: {  	[smem:$0x3FB7] =	sst s9;
	s0 =	simm.s32 @!p0 $0x0  }
0x12: {  	s1 =	sld [smem:$0x3F9D];
	s0 =	simm.s32 @p0 $0x1  }
0x13: {  	[smem:$0x3FB8] =	sst s0;
	s0 =	simm.s32 @!p1 $0x0  }
0x14: {  	s2 =	sld [smem:$0x3F9C];
	s0 =	simm.s32 @p1 $0x1  }
0x15: {  	[smem:$0x3FB9] =	sst s0;
	s0 =	simm.s32 @!p2 $0x0  }
0x16: {  	s3 =	sld [smem:$0x3FDB];
	s0 =	simm.s32 @p2 $0x1  }
0x17: {  	s4 =	simm.s32 $0x1BF5;
	[smem:$0x3FBB] =	sst s0  }
0x18: {  	s0 =	sld [smem:$0x3F9E];
	_ =	swait.ge [sflag:s4], $0x0  }
0x19: {  	s7 =	sld [smem:$0x3F9F]  }
0x1a: {  	s8 =	sadd.s32 $0xFFFFE003, lr  }
0x1b: {  	s9 =	sadd.s32 $0xFFFFFEF7, lr;
	s5 =	simm.s32 $0xFFFFFFFF;
	p2 =	slt.u32 s8, $0xFFFFF086  }
0x1c: {  	p1 =	slt.u32 s9, $0xF7A;
	s5 =	simm.s32 @!p2 $0x0  }
0x1d: {  	s5 =	simm.s32 @p1 $0x1;
	p0 =	seq.s32 s7, s2  }
0x1e: {  	s7 =	smul.u32 @!p0 $0xF7A, s2;
	p2 =	seq.s32 @!p0 s5, $0x0  }
0x1f: {  	s9 =	smul.u32 $0xF7A, s1;
	s8 =	simm.s32 @!p0 $0x1BF5;
	p2 =	por !p2, p0  }
0x20: {  	[sflag:s8] =	ssyncset.s32 @!p0 $0xFFFFF086;
	s6 =	sadd.s32 @!p0 s3, s7;
	s7 =	simm.s32 @!p0 $0x108  }
0x21: {  	s3 =	sadd.s32 s3, s9;
	s6 =	sadd.s32 @!p0 $0x88, s6;
	s7 =	simm.s32 @p2 $0x1082  }
0x22: {  	[simem:s7], [sflag:s8] =	dma.local @!p0 [hbm:s6], $0xF7A  }
0x23: {  	s9 =	sor.u32 $0xD0000000, s2;
	s6 =	simm.s32 $0x108;
	_ =	swait.ge @!p0 [sflag:s8], $0x0  }
0x24: {  	s3 =	sadd.s32 $0x88, s3;
	s6 =	simm.s32 @!p1 $0x1082;
	[sflag:s4] =	ssyncset.s32 $0xFFFFF086  }
0x25: {  	[simem:s6], [sflag:s4] =	dma.local [hbm:s3], $0xF7A  }
0x26: {  	[smem:$0x3F9F] =	sst s1;
	(tag) =	ssettag s2;
	_ =	strace s9  }
0x27: {  	s1 =	sld [smem:$0x3FAF]  }
0x28: {  	s2 =	sld [smem:$0x3FB0]  }
0x29: {  	s4 =	sld [smem:$0x3FB2]  }
0x2a: {  	p0 =	seq.s32 s5, $0x0;
	s5 =	sld [smem:$0x3FB3]  }
0x2b: {  	s6 =	sld [smem:$0x3FB4]  }
0x2c: {  	s7 =	sld [smem:$0x3FB5]  }
0x2d: {  	s3 =	simm.s32 $0x108;
	s8 =	sld [smem:$0x3FB6]  }
0x2e: {  	s3 =	simm.s32 @!p0 $0x1082;
	s9 =	sld [smem:$0x3FB7]  }
0x2f: {  	lr =	sadd.s32 s0, s3;
	s0 =	sld [smem:$0x3FAE]  }
0x30: {  	s3 =	sld [smem:$0x3FB1]  }
0x31: {  	[smem:$0x3FBA] =	sst s10  }
0x32: {  	s10 =	sld [smem:$0x3FB8];
	_ =	sdelay $0x3  }
0x33: {  	p0 =	seq.s32 s10, $0x1;
	s10 =	sld [smem:$0x3FBA];
	_ =	sdelay $0x3  }
0x34: {  	[smem:$0x3FBA] =	sst s10  }
0x35: {  	s10 =	sld [smem:$0x3FB9];
	_ =	sdelay $0x3  }
0x36: {  	p1 =	seq.s32 s10, $0x1;
	s10 =	sld [smem:$0x3FBA];
	_ =	sdelay $0x3  }
0x37: {  	[smem:$0x3FBA] =	sst s10  }
0x38: {  	s10 =	sld [smem:$0x3FBB]  }
0x39: {  	_ = 	snop;
	(pc) =	sbr.ind lr, $3  }
0x3a: {  	_ = 	snop  }
0x3b: {  	_ = 	snop  }
0x3c: {  	p2 =	seq.s32 s10, $0x1;
	s10 =	sld [smem:$0x3FBA]  }
0x3d: {  	_ =	shalt  }
0x3e: {  	_ =	shalt  }
0x3f: {  	_ =	shalt  }
0x40: {  	_ =	shalt  }
0x41: {  	_ =	shalt  }
0x42: {  	_ =	shalt  }
0x43: {  	_ =	shalt  }
0x44: {  	_ =	shalt  }
0x45: {  	_ =	shalt  }
0x46: {  	_ =	shalt  }
0x47: {  	_ =	shalt  }
0x48: {  	_ =	shalt  }
0x49: {  	_ =	shalt  }
0x4a: {  	_ =	shalt  }
0x4b: {  	_ =	shalt  }
0x4c: {  	_ =	shalt  }
0x4d: {  	_ =	shalt  }
0x4e: {  	_ =	shalt  }
0x4f: {  	_ =	shalt  }
0x50: {  	_ =	shalt  }
0x51: {  	_ =	shalt  }
0x52: {  	_ =	shalt  }
0x53: {  	_ =	shalt  }
0x54: {  	_ =	shalt  }
0x55: {  	_ =	shalt  }
0x56: {  	_ =	shalt  }
0x57: {  	_ =	shalt  }
0x58: {  	_ =	shalt  }
0x59: {  	_ =	shalt  }
0x5a: {  	_ =	shalt  }
0x5b: {  	_ =	shalt  }
0x5c: {  	_ =	shalt  }
0x5d: {  	_ =	shalt  }
0x5e: {  	_ =	shalt  }
0x5f: {  	_ =	shalt  }
0x60: {  	_ =	shalt  }
0x61: {  	_ =	shalt  }
0x62: {  	_ =	shalt  }
0x63: {  	_ =	shalt  }
0x64: {  	_ =	shalt  }
0x65: {  	_ =	shalt  }
0x66: {  	_ =	shalt  }
0x67: {  	_ =	shalt  }
0x68: {  	_ =	shalt  }
0x69: {  	_ =	shalt  }
0x6a: {  	_ =	shalt  }
0x6b: {  	_ =	shalt  }
0x6c: {  	_ =	shalt  }
0x6d: {  	_ =	shalt  }
0x6e: {  	_ =	shalt  }
0x6f: {  	_ =	shalt  }
0x70: {  	_ =	shalt  }
0x71: {  	_ =	shalt  }
0x72: {  	_ =	shalt  }
0x73: {  	_ =	shalt  }
0x74: {  	_ =	shalt  }
0x75: {  	_ =	shalt  }
0x76: {  	_ =	shalt  }
0x77: {  	_ =	shalt  }
0x78: {  	_ =	shalt  }
0x79: {  	_ =	shalt  }
0x7a: {  	_ =	shalt  }
0x7b: {  	_ =	shalt  }
0x7c: {  	_ =	shalt  }
0x7d: {  	_ =	shalt  }
0x7e: {  	_ =	shalt  }
0x7f: {  	_ =	shalt  }
0x80: {  	_ =	shalt  }
0x81: {  	_ =	shalt  }
0x82: {  	_ =	shalt  }
0x83: {  	_ =	shalt  }
0x84: {  	_ =	shalt  }
0x85: {  	_ =	shalt  }
0x86: {  	_ =	shalt  }
0x87: {  	_ =	shalt  }
.Lfunc_end0:
.L_simem_size_0:
called_computation_lowered:
.L_overlay_start_0:
0x88: {  	s2 =	sld [smem:$0x3FD9]  }
0x89: {  	s3 =	sld [smem:$0x3FFE];
	_ =	sdelay $0x1  }
0x8a: {  	s1 =	srdreg.scid  }
0x8b: {  	s0 =	sand.u32 $0x1, s1  }
0x8c: {  	s14 =	sshll.u32 s0, $0xA;
	s2 =	sadd.s32 s3, s2  }
0x8d: {  	s2 =	sadd.s32 s2, s14  }
0x8e: {  	[smem:$0x3FC6] =	sst s2  }
0x8f: {  	_ = 	snop  }
0x90: {  	s2 =	sld [smem:$0x3FD0];
	_ =	sdelay $0x2  }
0x91: {  	s15 =	simm.s32 $0xA;
	s4 =	simm.s32 $0x10  }
0x92: {  	[smem:s4], [sflag:s15] =	dma.local [hbm:s2], $0x1  }
0x93: {  	_ =	swait.eq [sflag:s15], $0x1  }
0x94: {  	[sflag:s15] =	ssyncset.done $0x0  }
0x95: {  	[sflag:s15] =	ssyncadd.s32 $0xFFFFFFFF  }
0x96: {  	s16 =	sld [smem:$0x10];
	(tm) =	ssettm $0x1  }
0x97: {  	s17 =	sld [smem:$0x3FFB];
	_ =	sdelay $0x3  }
0x98: {  	_ =	strace s17  }
0x99: {  	s3 =	sld [smem:$0x3FFC];
	_ =	sdelay $0x3  }
0x9a: {  	_ =	strace s3  }
0x9b: {  	s3 =	sld [smem:$0x3FFD];
	_ =	sdelay $0x3  }
0x9c: {  	_ =	strace s3  }
0x9d: {  	_ =	strace $0x8FFFFFFF  }
0x9e: {  	s18 =	sld [smem:$0x3FDB];
	_ =	sdelay $0x1  }
0x9f: {  	s19 =	simm.s32 $_scs_section_size  }
0xa0: {  	s5 =	simm.s32 $_size__tile_overlayer_lowered;
	s6 =	simm.s32 $_tile_overlayer_lowered  }
0xa1: {  	s22 =	simm.s32 $0x1BFF;
	s21 =	sshll.u32 s6, $0x1;
	s3 =	sadd.s32 s19, s18  }
0xa2: {  	s7 =	simm.s32 $0x0;
	s20 =	sshll.u32 s5, $0x1;
	s5 =	sadd.s32 s21, s3  }
0xa3: {  	[timem:s7], [sflag:s22] =	dma.local [hbm:s5], s20  }
0xa4: {  	_ =	swait.ge [sflag:s22], s20  }
0xa5: {  	s4 =	ssub.s32 $0x0, s20;
	[sflag:s22] =	ssyncset.done $0x0  }
0xa6: {  	[sflag:s22] =	ssyncadd.s32 s4;
	_ =	sdelay $0x1  }
0xa7: {  	s23 =	simm.s32 $0x1B8B  }
0xa8: {  	_ =	swait.ge [sflag:s23], $0x1  }
0xa9: {  	[sflag:s23] =	ssyncset.done $0x0  }
0xaa: {  	s25 =	simm.s32 $0x1B8E;
	s24 =	sld [smem:$0x3FFE];
	[sflag:s23] =	ssyncadd.s32 $0xFFFFFFFF  }
0xab: {  	s26 =	simm.s32 $execute0_lowered;
	[smem:$0x3FD2] =	sst s25  }
0xac: {  	s5 =	sshll.u32 s26, $0x1;
	_ =	strace $0x80000046;
	[dreg:$0x1] =	wrdreg $0xFFFFFFFF  }
0xad: {  	s28 =	simm.s32 $_size_execute0_lowered;
	s3 =	sadd.s32 s3, s5;
	[dreg:$0x0] =	wrdreg $0x0  }
0xae: {  	s5 =	sshll.u32 s28, $0x1;
	[dreg:$0x2] =	wrdreg s3  }
0xaf: {  	[dreg:$0x3] =	wrdreg s5  }
0xb0: {  	[dreg:$0x4] =	wrdreg $0xC0  }
0xb1: {  	_ =	task [dreg:s7], $0x5FFFF  }
0xb2: {  	[dreg:$0x1] =	wrdreg $0xFFFFFFFF  }
0xb3: {  	[dreg:$0x0] =	wrdreg $0x60  }
0xb4: {  	[dreg:$0x2] =	wrdreg s16  }
0xb5: {  	[dreg:$0x3] =	wrdreg s24  }
0xb6: {  	[dreg:$0x4] =	wrdreg $0x9  }
0xb7: {  	_ =	task.clear_ibuf [dreg:s7], $0x5FFFF;
	_ =	strace $0x90000046  }
0xb8: {  	s29 =	simm.s32 $0x9;
	_ =	strace $0x80000048  }
0xb9: {  	_ =	swait.ge [sflag:s29], $0x1  }
0xba: {  	[sflag:s29] =	ssyncadd.s32 $0xFFFFFFFF  }
0xbb: {  	_ =	strace $0x90000048  }
0xbc: {  	_ =	sfence  }
0xbd: {  	s30 =	sld [smem:$0x0];
	_ =	sdelay $0x2  }
0xbe: {  	s31 =	sshll.u32 s1, $0xD;
	s1 =	sshrl.u32 s1, $0x2  }
0xbf: {  	s3 =	sand.u32 $0x4000, s31;
	s1 =	sadd.s32 s1, s30  }
0xc0: {  	s0 =	sor.u32 s3, s0;
	s1 =	sshll.u32 s1, $0x11  }
0xc1: {  	s0 =	sor.u32 s1, s0  }
0xc2: {  	s0 =	sadd.s32 $0x8F2B, s0  }
0xc3: {  	[sflag:s0] =	ssyncadd.remote.s32 $0x1  }
0xc4: {  	_ =	sfence.sel $0xFFFF  }
0xc5: {  	[dreg:$0x0] =	wrdreg $0xFFFFFFFF;
	(pc) =	sbr.abs _section_cstart, $3  }
0xc6: {  	[dreg:$0x1] =	wrdreg $0xFFFFFFFF  }
0xc7: {  	_ =	task.clear_ibuf [dreg:s7], $0x2FFFF;
	_ =	strace $0x9FFFFFFF  }
0xc8: {  	(tm) =	ssettm $0x7FFFFFFF  }
0xc9: {  	_ =	shalt  }
tec
execute0_lowered:
.L_overlay_start_1:
0x0: {  	(tag) =	ssettag $0x1  }
0x1: {  	s1 =	srdreg.scid;
	s0 =	stileid.u32  }
0x2: {  	s24 =	sand.u32 $0x1, s1;
	s31 =	sshll.u32 s0, $0x1  }
0x3: {  	s2 =	rddreg [dreg:$0x0];
	s1 =	sor.u32 s24, s31  }
0x4: {  	s25 =	rddreg [dreg:$0x1];
	s3 =	simm.s32 $0x0;
	s4 =	smul.u32 $0x90, s1  }
0x5: {  	[smem:$0x7FF] =	sst s3  }
0x6: {  	s1 =	rddreg [dreg:$0x2];
	s4 =	sadd.s32 s4, s25  }
0x7: {  	_ =	strace $0x80000047;
	s5 =	sadd.s32 $0x800, s4;
	s4 =	simm.s32 $0x2  }
0x8: {  	[tilespmem:s3], [sflag:$0x2] =	stream.linear.gather [hbm4b:s5+s3], $0x480, $0x38;
	[tilespmem:$0x12480] =	vst v63  }
0x9: {  	_ =	swait.ge [sflag:s4], $0x480  }
0xa: {  	[sflag:s4] =	ssyncset.done $0x0  }
0xb: {  	s6 =	simm.s32 $0x80;
	s7 =	simm.s32 $0x480;
	[sflag:s4] =	ssyncadd.s32 $0xFFFFFB80  }
0xc: {  	[tilespmem:s7], [sflag:$0x1] =	stream.indirect.gather [hbm4b:s2+s6], $0x40, s3, s6, $0xb8;
	[tilespmem:$0x12480] =	vst v63  }
0xd: {  	s8 =	simm.s32 $0x2480  }
0xe: {  	[tilespmem:s8], [sflag:$0x1] =	stream.indirect.gather [hbm4b:s2+s6], $0x40, s6, s6, $0xb8;
	[tilespmem:$0x12480] =	vst v63  }
0xf: {  	s9 =	simm.s32 $0x100;
	s10 =	simm.s32 $0x4480  }
0x10: {  	[tilespmem:s10], [sflag:$0x1] =	stream.indirect.gather [hbm4b:s2+s6], $0x40, s9, s6, $0xb8;
	[tilespmem:$0x12480] =	vst v63  }
0x11: {  	s11 =	simm.s32 $0x180;
	s12 =	simm.s32 $0x6480  }
0x12: {  	[tilespmem:s12], [sflag:$0x1] =	stream.indirect.gather [hbm4b:s2+s6], $0x40, s11, s6, $0xb8;
	[tilespmem:$0x12480] =	vst v63  }
0x13: {  	s13 =	simm.s32 $0x200;
	s14 =	simm.s32 $0x8480  }
0x14: {  	[tilespmem:s14], [sflag:$0x1] =	stream.indirect.gather [hbm4b:s2+s6], $0x40, s13, s6, $0xb8;
	[tilespmem:$0x12480] =	vst v63  }
0x15: {  	s15 =	simm.s32 $0x280;
	s16 =	simm.s32 $0xA480  }
0x16: {  	[tilespmem:s16], [sflag:$0x1] =	stream.indirect.gather [hbm4b:s2+s6], $0x40, s15, s6, $0xb8;
	[tilespmem:$0x12480] =	vst v63  }
0x17: {  	s17 =	simm.s32 $0x300;
	s18 =	simm.s32 $0xC480  }
0x18: {  	[tilespmem:s18], [sflag:$0x1] =	stream.indirect.gather [hbm4b:s2+s6], $0x40, s17, s6, $0xb8;
	[tilespmem:$0x12480] =	vst v63  }
0x19: {  	s19 =	simm.s32 $0x380;
	s20 =	simm.s32 $0xE480  }
0x1a: {  	[tilespmem:s20], [sflag:$0x1] =	stream.indirect.gather [hbm4b:s2+s6], $0x40, s19, s6, $0xb8;
	[tilespmem:$0x12480] =	vst v63  }
0x1b: {  	s21 =	simm.s32 $0x400;
	s22 =	simm.s32 $0x10480;
	s23 =	simm.s32 $0x1  }
0x1c: {  	[tilespmem:s22], [sflag:$0x1] =	stream.indirect.gather [hbm4b:s2+s6], $0x40, s21, s6, $0xb8;
	[tilespmem:$0x12480] =	vst v63  }
0x1d: {  	_ =	swait.ge [sflag:s23], $0x2000  }
0x1e: {  	[sflag:s23] =	ssyncset.done $0x0  }
0x1f: {  	[sflag:s23] =	ssyncadd.s32 $0xFFFFE000  }
0x20: {  	_ =	swait.ge [sflag:s23], $0x2000  }
0x21: {  	[sflag:s23] =	ssyncset.done $0x0  }
0x22: {  	[sflag:s23] =	ssyncadd.s32 $0xFFFFE000  }
0x23: {  	_ =	swait.ge [sflag:s23], $0x2000  }
0x24: {  	[sflag:s23] =	ssyncset.done $0x0  }
0x25: {  	[sflag:s23] =	ssyncadd.s32 $0xFFFFE000  }
0x26: {  	_ =	swait.ge [sflag:s23], $0x2000  }
0x27: {  	[sflag:s23] =	ssyncset.done $0x0  }
0x28: {  	[sflag:s23] =	ssyncadd.s32 $0xFFFFE000  }
0x29: {  	_ =	swait.ge [sflag:s23], $0x2000  }
0x2a: {  	[sflag:s23] =	ssyncset.done $0x0  }
0x2b: {  	[sflag:s23] =	ssyncadd.s32 $0xFFFFE000  }
0x2c: {  	_ =	swait.ge [sflag:s23], $0x2000  }
0x2d: {  	[sflag:s23] =	ssyncset.done $0x0  }
0x2e: {  	[sflag:s23] =	ssyncadd.s32 $0xFFFFE000  }
0x2f: {  	_ =	swait.ge [sflag:s23], $0x2000  }
0x30: {  	[sflag:s23] =	ssyncset.done $0x0  }
0x31: {  	s26 =	smul.u32 $0x24000, s0;
	[sflag:s23] =	ssyncadd.s32 $0xFFFFE000  }
0x32: {  	s28 =	sshll.u32 s24, $0x7;
	_ =	swait.ge [sflag:s23], $0x2000  }
0x33: {  	s26 =	sor.u32 s28, s26;
	[sflag:s23] =	ssyncset.done $0x0  }
0x34: {  	s28 =	ssub.s32 $0x2, s24;
	s26 =	sshrl.u32 s26, $0x3;
	[sflag:s23] =	ssyncadd.s32 $0xFFFFE000  }
0x35: {  	s29 =	sshrl.u32 s28, $0x1;
	s26 =	sadd.s32 s26, s25;
	_ =	swait.ge [sflag:s23], $0x2000  }
0x36: {  	s25 =	simm.s32 $0x40;
	s28 =	ssub.s32 s28, s29;
	[sflag:s23] =	ssyncset.done $0x0  }
0x37: {  	s24 =	sadd.s32 $0x1A00, s26;
	s29 =	smax.u32 s28, $0x1;
	[sflag:s23] =	ssyncadd.s32 $0xFFFFE000  }
0x38: {  	[hbm4b:s24+s25] =	stream.strided.scatter [tilespmem:s7], [sflag:$0x2], $0x9000, s9, s25, $0x38;
	[tilespmem:$0x12480] =	vst v63  }
0x39: {  	p0 =	sne.s32 s29, $0x1;
	_ =	swait.ge [sflag:s4], $0x9000  }
.Ltmp0:
0x3a: {  	[sflag:s4] =	ssyncset.done $0x0;
	(pc) =	sbr.rel @!p0 .LBB2_2-.Ltmp0, $4  }
0x3b: {  	s26 =	sadd.s32 $0x1A08, s26;
	s28 =	simm.s32 $0x9480;
	[sflag:s4] =	ssyncadd.s32 $0xFFFF7000  }
0x3c: {  	[hbm4b:s26+s25] =	stream.strided.scatter [tilespmem:s28], [sflag:$0x2], $0x9000, s9, s25, $0x38;
	[tilespmem:$0x12480] =	vst v63  }
0x3d: {  	_ =	swait.ge [sflag:s4], $0x9000  }
0x3e: {  	s29 =	sadd.s32 $0xFFFFFFFF, s29;
	[sflag:s4] =	ssyncset.done $0x0  }
.LBB2_1:
0x3f: {  	p0 =	sne.s32 s29, $0x1;
	s29 =	sadd.s32 $0xFFFFFFFF, s29;
	[sflag:s4] =	ssyncadd.s32 $0xFFFF7000  }
0x40: {  	[tilespmem:s3], [sflag:$0x2] =	stream.linear.gather [hbm4b:s5+s3], $0x480, $0x38;
	[tilespmem:$0x12480] =	vst v63  }
0x41: {  	_ =	swait.ge [sflag:s4], $0x480  }
0x42: {  	[sflag:s4] =	ssyncset.done $0x0  }
0x43: {  	[sflag:s4] =	ssyncadd.s32 $0xFFFFFB80  }
0x44: {  	[tilespmem:s7], [sflag:$0x1] =	stream.indirect.gather [hbm4b:s2+s6], $0x40, s3, s6, $0xb8;
	[tilespmem:$0x12480] =	vst v63  }
0x45: {  	_ = 	snop  }
0x46: {  	[tilespmem:s8], [sflag:$0x1] =	stream.indirect.gather [hbm4b:s2+s6], $0x40, s6, s6, $0xb8;
	[tilespmem:$0x12480] =	vst v63  }
0x47: {  	_ = 	snop  }
0x48: {  	[tilespmem:s10], [sflag:$0x1] =	stream.indirect.gather [hbm4b:s2+s6], $0x40, s9, s6, $0xb8;
	[tilespmem:$0x12480] =	vst v63  }
0x49: {  	_ = 	snop  }
0x4a: {  	[tilespmem:s12], [sflag:$0x1] =	stream.indirect.gather [hbm4b:s2+s6], $0x40, s11, s6, $0xb8;
	[tilespmem:$0x12480] =	vst v63  }
0x4b: {  	_ = 	snop  }
0x4c: {  	[tilespmem:s14], [sflag:$0x1] =	stream.indirect.gather [hbm4b:s2+s6], $0x40, s13, s6, $0xb8;
	[tilespmem:$0x12480] =	vst v63  }
0x4d: {  	_ = 	snop  }
0x4e: {  	[tilespmem:s16], [sflag:$0x1] =	stream.indirect.gather [hbm4b:s2+s6], $0x40, s15, s6, $0xb8;
	[tilespmem:$0x12480] =	vst v63  }
0x4f: {  	_ = 	snop  }
0x50: {  	[tilespmem:s18], [sflag:$0x1] =	stream.indirect.gather [hbm4b:s2+s6], $0x40, s17, s6, $0xb8;
	[tilespmem:$0x12480] =	vst v63  }
0x51: {  	_ = 	snop  }
0x52: {  	[tilespmem:s20], [sflag:$0x1] =	stream.indirect.gather [hbm4b:s2+s6], $0x40, s19, s6, $0xb8;
	[tilespmem:$0x12480] =	vst v63  }
0x53: {  	_ = 	snop  }
0x54: {  	[tilespmem:s22], [sflag:$0x1] =	stream.indirect.gather [hbm4b:s2+s6], $0x40, s21, s6, $0xb8;
	[tilespmem:$0x12480] =	vst v63  }
0x55: {  	_ =	swait.ge [sflag:s23], $0x2000  }
0x56: {  	[sflag:s23] =	ssyncset.done $0x0  }
0x57: {  	[sflag:s23] =	ssyncadd.s32 $0xFFFFE000  }
0x58: {  	_ =	swait.ge [sflag:s23], $0x2000  }
0x59: {  	[sflag:s23] =	ssyncset.done $0x0  }
0x5a: {  	[sflag:s23] =	ssyncadd.s32 $0xFFFFE000  }
0x5b: {  	_ =	swait.ge [sflag:s23], $0x2000  }
0x5c: {  	[sflag:s23] =	ssyncset.done $0x0  }
0x5d: {  	[sflag:s23] =	ssyncadd.s32 $0xFFFFE000  }
0x5e: {  	_ =	swait.ge [sflag:s23], $0x2000  }
0x5f: {  	[sflag:s23] =	ssyncset.done $0x0  }
0x60: {  	[sflag:s23] =	ssyncadd.s32 $0xFFFFE000  }
0x61: {  	_ =	swait.ge [sflag:s23], $0x2000  }
0x62: {  	[sflag:s23] =	ssyncset.done $0x0  }
0x63: {  	[sflag:s23] =	ssyncadd.s32 $0xFFFFE000  }
0x64: {  	_ =	swait.ge [sflag:s23], $0x2000  }
0x65: {  	[sflag:s23] =	ssyncset.done $0x0  }
0x66: {  	[sflag:s23] =	ssyncadd.s32 $0xFFFFE000  }
0x67: {  	_ =	swait.ge [sflag:s23], $0x2000  }
0x68: {  	[sflag:s23] =	ssyncset.done $0x0  }
0x69: {  	[sflag:s23] =	ssyncadd.s32 $0xFFFFE000  }
0x6a: {  	_ =	swait.ge [sflag:s23], $0x2000  }
0x6b: {  	[sflag:s23] =	ssyncset.done $0x0  }
0x6c: {  	[sflag:s23] =	ssyncadd.s32 $0xFFFFE000  }
0x6d: {  	_ =	swait.ge [sflag:s23], $0x2000  }
0x6e: {  	[sflag:s23] =	ssyncset.done $0x0  }
0x6f: {  	[sflag:s23] =	ssyncadd.s32 $0xFFFFE000  }
0x70: {  	[hbm4b:s24+s25] =	stream.strided.scatter [tilespmem:s7], [sflag:$0x2], $0x9000, s9, s25, $0x38;
	[tilespmem:$0x12480] =	vst v63  }
0x71: {  	_ =	swait.ge [sflag:s4], $0x9000  }
.Ltmp1:
0x72: {  	[sflag:s4] =	ssyncset.done $0x0;
	(pc) =	sbr.rel @p0 .LBB2_1-.Ltmp1, $4  }
0x73: {  	[sflag:s4] =	ssyncadd.s32 $0xFFFF7000  }
0x74: {  	[hbm4b:s26+s25] =	stream.strided.scatter [tilespmem:s28], [sflag:$0x2], $0x9000, s9, s25, $0x38;
	[tilespmem:$0x12480] =	vst v63  }
0x75: {  	_ =	swait.ge [sflag:s4], $0x9000  }
0x76: {  	[sflag:s4] =	ssyncset.done $0x0  }
.LBB2_2:
0x77: {  	[sflag:s4] =	ssyncadd.s32 $0xFFFF7000  }
0x78: {  	_ =	sfence.sel $0x180000  }
0x79: {  	[bflag:$0x0] =	sbarrier.arrive $0xFFFF  }
0x7a: {  	p0 =	sne.s32 s0, $0x0;
	_ =	strace $0x90000047  }
0x7b: {  	s0 =	sadd.s32 @!p0 $0x100000, s1;
	[bflag:$0x2] =	sbarrier.arrive $0xFFFF  }
0x7c: {  	[sflag:s0] =	ssyncadd.tile.s32 @!p0 $0x1;
	_ =	shalt  }
.Lfunc_end2:
_tile_overlayer_lowered:
.L_overlay_start_2:
0x7d: {  	(tag) =	ssettag $0x2  }
0x7e: {  	s0 =	rddreg [dreg:$0x0];
	s2 =	stileid.u32  }
0x7f: {  	s1 =	rddreg [dreg:$0x1];
	p0 =	sne.s32 s2, $0x0  }
0x80: {  	s3 =	rddreg [dreg:$0x2];
	[bflag:$0x3] =	sbarrier.arrive $0xFFFF;
	s2 =	simm.s32 @!p0 $0x1C02  }
0x81: {  	[timem:s3], [sflag:s2] =	dma.local @!p0 [hbm:s0], s1  }
0x82: {  	s0 =	simm.s32 @!p0 $0x2  }
0x83: {  	_ =	swait.ge @!p0 [sflag:s0], s1  }
0x84: {  	s1 =	ssub.s32 @!p0 $0x0, s1;
	[sflag:s0] =	ssyncset.done @!p0 $0x0  }
0x85: {  	[sflag:s0] =	ssyncadd.s32 @!p0 s1  }
0x86: {  	[bflag:$0x3] =	sbarrier.arrive $0xFFFF  }
0x87: {  	_ =	shalt  }

</sc_bundles>
